<compile_context>
chip_gen: v7x
topology: tpu7x:2x2x1
jax: 0.10.2.dev20260603
libtpu: 0.0.44.dev20260713+nightly
codegen_flags: <defaults>
</compile_context>

<pallas_src>
import functools

import jax
import jax.numpy as jnp
from jax import lax
from jax.experimental import pallas as pl
from jax.experimental.pallas import tpu as pltpu
from jax.experimental.pallas import tpu_sc as plsc

_B = 16384
_C = 784
_NB = 64
_NC = 208
_NN = 512
_KS = 16
_NOUT = _NB + _NC + _NN // _KS
_L = 16
_NCORES = 2
_NSUB = 16
_NW = _NCORES * _NSUB
_VPC = _C // _L
_BSC = 5120


def _sc_partial_rowsum(x2d, a, cvec, bs):
    rows_per_w = bs // _NW
    groups = rows_per_w // _L
    mesh = plsc.VectorSubcoreMesh(core_axis_name="c", subcore_axis_name="s")

    @functools.partial(
        pl.kernel,
        mesh=mesh,
        out_type=jax.ShapeDtypeStruct((bs * _L,), jnp.float32),
        scratch_types=[
            pltpu.VMEM((_L, _C), jnp.float32),
            pltpu.VMEM((_L, _C), jnp.float32),
            pltpu.VMEM((_L * _L,), jnp.float32),
            pltpu.VMEM((_L * _L,), jnp.float32),
            pltpu.VMEM((_C,), jnp.float32),
            pltpu.VMEM((_L,), jnp.float32),
            pltpu.SemaphoreType.DMA,
            pltpu.SemaphoreType.DMA,
            pltpu.SemaphoreType.DMA,
            pltpu.SemaphoreType.DMA,
            pltpu.SemaphoreType.DMA,
        ],
    )
    def k(x_hbm, a_hbm, c_hbm, p_hbm, buf0, buf1, pb0, pb1, a_v, c_v,
          isem0, isem1, osem0, osem1, wsem):
        wid = lax.axis_index("s") * _NCORES + lax.axis_index("c")
        base = wid * rows_per_w
        pltpu.async_copy(a_hbm, a_v, wsem)
        pltpu.async_copy(c_hbm, c_v, wsem)

        bufs = (buf0, buf1)
        pbs = (pb0, pb1)
        isems = (isem0, isem1)
        osems = (osem0, osem1)

        def in_slice(g):
            row0 = base + g * _L
            return x_hbm.at[pl.ds(row0, _L), :]

        def out_slice(g):
            row0 = base + g * _L
            return p_hbm.at[pl.ds(row0 * _L, _L * _L)]

        pltpu.async_copy(in_slice(0), buf0, isem0)
        pltpu.make_async_copy(a_hbm, a_v, wsem).wait()
        pltpu.make_async_copy(c_hbm, c_v, wsem).wait()
        cv = c_v[...]

        def step(i, carry):
            for s in range(2):
                g = 2 * i + s
                buf, pb = bufs[s], pbs[s]
                isem, osem = isems[s], osems[s]
                o = 1 - s

                @pl.when(g + 1 < groups)
                def _():
                    pltpu.async_copy(in_slice(g + 1), bufs[o], isems[o])

                pltpu.make_async_copy(in_slice(g), buf, isem).wait()

                @pl.when(i > 0)
                def _():
                    pltpu.make_async_copy(pb, out_slice(g), osem).wait()

                for half in range(2):
                    @plsc.parallel_loop(0, _VPC, 1, unroll=7,
                                        carry=(cv,) * (_L // 2))
                    def jloop(j, accs, half=half):
                        off = j * _L
                        aj = a_v[pl.ds(off, _L)]
                        return tuple(
                            accs[r]
                            + buf[half * (_L // 2) + r, pl.ds(off, _L)] * aj
                            for r in range(_L // 2))
                    accs = jloop
                    for r in range(_L // 2):
                        rr = half * (_L // 2) + r
                        pb[pl.ds(rr * _L, _L)] = accs[r]
                pltpu.async_copy(pb, out_slice(g), osem)
            return carry

        lax.fori_loop(0, groups // 2, step, 0)
        pltpu.make_async_copy(pb0, out_slice(groups - 2), osem0).wait()
        pltpu.make_async_copy(pb1, out_slice(groups - 1), osem1).wait()

    return k(x2d, a, cvec)


def _tc_final_rowsum(p, moh, bs):
    prows = bs * _L // 128

    def body(p_ref, m_ref, o_ref):
        o_ref[...] = jax.lax.dot(
            p_ref[...], m_ref[...],
            precision=jax.lax.Precision.HIGHEST,
            preferred_element_type=jnp.float32)

    return pl.pallas_call(
        body,
        out_shape=jax.ShapeDtypeStruct((prows, 8), jnp.float32),
        grid=(2,),
        in_specs=[
            pl.BlockSpec((prows // 2, 128), lambda i: (i, 0)),
            pl.BlockSpec((128, 8), lambda i: (0, 0)),
        ],
        out_specs=pl.BlockSpec((prows // 2, 8), lambda i: (i, 0)),
    )(p, moh)


def _tc_main_rowsum(x2d, a2d, c11, row0, nrows):
    rb = 1024
    nblk = nrows // rb
    blk0 = row0 // rb

    def body(x_ref, a_ref, c_ref, o_ref):
        o_ref[...] = jnp.sum(x_ref[...] * a_ref[...], axis=1,
                             keepdims=True) + c_ref[...]

    return pl.pallas_call(
        body,
        out_shape=jax.ShapeDtypeStruct((nrows, 1), jnp.float32),
        grid=(nblk,),
        in_specs=[
            pl.BlockSpec((rb, _C), lambda i: (blk0 + i, 0)),
            pl.BlockSpec((1, _C), lambda i: (0, 0)),
            pl.BlockSpec((1, 1), lambda i: (0, 0)),
        ],
        out_specs=pl.BlockSpec((rb, 1), lambda i: (i, 0)),
    )(x2d, a2d, c11)


def kernel(input_linear, w1, b1, w2, b2, K, train_size, num_cat_variable,
           num_num_variable, num_bin_variable,
           vectorized_cate_col_name_num_list):
    x2d = input_linear.reshape(_B, _C)

    counts = jnp.asarray(vectorized_cate_col_name_num_list, dtype=jnp.int32)
    cum = jnp.cumsum(counts)
    jj = jnp.arange(_NC, dtype=jnp.int32)
    seg = jnp.sum((cum[None, :] <= jj[:, None]).astype(jnp.int32), axis=1)
    seg = jnp.minimum(seg, _NC - 1)
    gmap = jnp.concatenate([
        jnp.arange(_NB, dtype=jnp.int32),
        _NB + seg,
        _NB + _NC + jnp.arange(_NN, dtype=jnp.int32) // _KS,
    ])
    onehot = (gmap[:, None] == jnp.arange(_NOUT, dtype=jnp.int32)[None, :])
    w2g = jnp.dot(onehot.astype(jnp.float32), w2,
                  precision=jax.lax.Precision.HIGHEST)
    a = w1 * w2g
    cconst = jnp.dot(b1, w2g, precision=jax.lax.Precision.HIGHEST) + jnp.sum(b2)
    cvec = jnp.full((_L,), cconst / _L, dtype=jnp.float32)

    lane = jnp.arange(128, dtype=jnp.int32)
    moh = (lane[:, None] // _L == jnp.arange(8, dtype=jnp.int32)[None, :])
    moh = moh.astype(jnp.float32)

    p = _sc_partial_rowsum(x2d, a, cvec, _BSC)
    out_tc = _tc_main_rowsum(x2d, a.reshape(1, _C),
                             jnp.full((1, 1), cconst, jnp.float32),
                             _BSC, _B - _BSC)
    out_sc = _tc_final_rowsum(p.reshape(_BSC * _L // 128, 128), moh, _BSC)
    return jnp.concatenate([out_sc.reshape(_BSC, 1), out_tc], axis=0)

# --- scband reference (transcript-rebuilt; emitter-appended) ---
"""Pipeline reference for scband-pwl-network-23527830848188 (READ-ONLY COPY).

The authoritative reference and input builder live on the scoring server;
editing this copy changes nothing except your own understanding.
"""

import jax, jax.numpy as jnp
import numpy as np

INPUT1 = 784
INPUT2 = 304
BATCH = 16384


def setup_inputs(seed: int = 0) -> dict:
    key = jax.random.key(seed)
    ks = jax.random.split(key, 5)
    input_linear = jax.random.normal(ks[0], (BATCH, INPUT1, 1), dtype=jnp.float32)
    # depthwise Conv1d(C, C, kernel=1, groups=C) == per-channel scale + bias
    w1 = jax.random.normal(ks[1], (INPUT1,), dtype=jnp.float32) * 0.1
    b1 = jax.random.normal(ks[2], (INPUT1,), dtype=jnp.float32) * 0.1
    w2 = jax.random.normal(ks[3], (INPUT2,), dtype=jnp.float32) * 0.1
    b2 = jax.random.normal(ks[4], (INPUT2,), dtype=jnp.float32) * 0.1
    vec = jnp.ones((208,), dtype=jnp.int32)  # one interval per categorical column
    return {
        "input_linear": input_linear,
        "w1": w1, "b1": b1, "w2": w2, "b2": b2,
        "K": 16,
        "train_size": BATCH,
        "num_cat_variable": 208,
        "num_num_variable": 512,
        "num_bin_variable": 64,
        "vectorized_cate_col_name_num_list": vec,
    }


def reference(input_linear, w1, b1, w2, b2, K, train_size, num_cat_variable,
              num_num_variable, num_bin_variable, vectorized_cate_col_name_num_list):
    # layer_piecewise: depthwise 1x1 conv -> per-channel affine
    y1 = input_linear * w1[None, :, None] + b1[None, :, None]
    nb, nn_, k_static = 64, 512, 16
    nc = vectorized_cate_col_name_num_list.shape[0]
    ts = input_linear.shape[0]
    y1_bin = y1[:, :nb, :]
    y1_cat = y1[:, nb:nb + nc, :]
    y1_num = y1[:, nb + nc:, :]
    # categorical interval aggregation == segment-sum along channel axis
    counts = jnp.asarray(vectorized_cate_col_name_num_list, dtype=jnp.int32)
    n_cat_cols = nc
    seg_ids = jnp.repeat(jnp.arange(n_cat_cols, dtype=jnp.int32), counts,
                         total_repeat_length=nc)
    temp_y1_cat = jax.ops.segment_sum(jnp.transpose(y1_cat, (1, 0, 2)), seg_ids,
                                      num_segments=n_cat_cols)
    temp_y1_cat = jnp.transpose(temp_y1_cat, (1, 0, 2))
    # numeric strided-group sum: temp[:, j] = sum_{i<K} y1_num[:, j*K + i]
    G = nn_ // k_static
    temp_y1_num = y1_num.reshape(ts, G, k_static, 1).sum(axis=2)
    y1 = jnp.concatenate((y1_bin, temp_y1_cat, temp_y1_num), axis=1)
    # layer_summation: depthwise 1x1 conv -> per-channel affine
    y2 = y1 * w2[None, :, None] + b2[None, :, None]
    linear_out = jnp.sum(y2, axis=1)
    fold = jnp.asarray(K + train_size + num_cat_variable + num_num_variable
                       + num_bin_variable, dtype=linear_out.dtype) * 0
    return linear_out + fold

if __name__ == "__main__":
    import jax
    _d = setup_inputs()
    print(jax.jit(kernel)(*tuple(_d.values())))

</pallas_src>

<mosaic_0001>
#map = affine_map<(d0, d1) -> (0, 0)>
#map1 = affine_map<(d0, d1) -> (0)>
module attributes {stable_mosaic.version = 14 : i64} {
  func.func @k(%arg0: i32, %arg1: i32, %arg2: memref<16384x784xf32, #tpu.memory_space<hbm>>, %arg3: memref<784xf32, #tpu.memory_space<hbm>>, %arg4: memref<16xf32, #tpu.memory_space<hbm>>, %arg5: memref<81920xf32, #tpu.memory_space<hbm>>, %arg6: memref<16x784xf32, #tpu.memory_space<vmem>>, %arg7: memref<16x784xf32, #tpu.memory_space<vmem>>, %arg8: memref<256xf32, #tpu.memory_space<vmem>>, %arg9: memref<256xf32, #tpu.memory_space<vmem>>, %arg10: memref<784xf32, #tpu.memory_space<vmem>>, %arg11: memref<16xf32, #tpu.memory_space<vmem>>, %arg12: memref<!tpu.dma_semaphore, #tpu.memory_space<semaphore_mem>>, %arg13: memref<!tpu.dma_semaphore, #tpu.memory_space<semaphore_mem>>, %arg14: memref<!tpu.dma_semaphore, #tpu.memory_space<semaphore_mem>>, %arg15: memref<!tpu.dma_semaphore, #tpu.memory_space<semaphore_mem>>, %arg16: memref<!tpu.dma_semaphore, #tpu.memory_space<semaphore_mem>>) attributes {dimension_semantics = [#tpu.dimension_semantics<core_parallel>, #tpu.dimension_semantics<subcore_parallel>], iteration_bounds = array<i64: 2, 16>, scalar_prefetch = 0 : i64, scratch_operands = 11 : i64, tpu.core_type = #tpu.core_type<sc_vector_subcore>, window_params = [{transform_indices = #map}, {transform_indices = #map1}, {transform_indices = #map1}, {transform_indices = #map1}]} {
    %mul3A = arith.constant 2 : i32
    %mul3A_0 = arith.muli %arg1, %mul3A : i32
    %add3A = arith.addi %mul3A_0, %arg0 : i32
    %mul3A_1 = arith.constant 160 : i32
    %mul3A_2 = arith.muli %add3A, %mul3A_1 : i32
    tpu.enqueue_dma source(%arg3 : memref<784xf32, #tpu.memory_space<hbm>>) target(%arg10 : memref<784xf32, #tpu.memory_space<vmem>>) target_semaphore(%arg16 : memref<!tpu.dma_semaphore, #tpu.memory_space<semaphore_mem>>)
    tpu.enqueue_dma source(%arg4 : memref<16xf32, #tpu.memory_space<hbm>>) target(%arg11 : memref<16xf32, #tpu.memory_space<vmem>>) target_semaphore(%arg16 : memref<!tpu.dma_semaphore, #tpu.memory_space<semaphore_mem>>)
    %add3A_3 = arith.constant 0 : i32
    %add3A_4 = arith.addi %mul3A_2, %add3A_3 : i32
    %dma_start3A = arith.constant 0 : i32
    %dma_start3A_5 = tpu.memref_slice %arg2[%add3A_4, %dma_start3A] : memref<16384x784xf32, #tpu.memory_space<hbm>> -> memref<16x784xf32, #tpu.memory_space<hbm>>
    %dma_start3A_6 = arith.constant 0 : i32
    %dma_start3A_7 = tpu.memref_slice %arg2[%add3A_4, %dma_start3A_6] : memref<16384x784xf32, #tpu.memory_space<hbm>> -> memref<16x784xf32, #tpu.memory_space<hbm>>
    tpu.enqueue_dma source(%dma_start3A_7 : memref<16x784xf32, #tpu.memory_space<hbm>>) target(%arg6 : memref<16x784xf32, #tpu.memory_space<vmem>>) target_semaphore(%arg12 : memref<!tpu.dma_semaphore, #tpu.memory_space<semaphore_mem>>)
    tpu.wait_dma2 semaphore(%arg16 : memref<!tpu.dma_semaphore, #tpu.memory_space<semaphore_mem>>) src(%arg3 : memref<784xf32, #tpu.memory_space<hbm>>) dst(%arg10 : memref<784xf32, #tpu.memory_space<vmem>>)
    tpu.wait_dma2 semaphore(%arg16 : memref<!tpu.dma_semaphore, #tpu.memory_space<semaphore_mem>>) src(%arg4 : memref<16xf32, #tpu.memory_space<hbm>>) dst(%arg11 : memref<16xf32, #tpu.memory_space<vmem>>)
    %get3A = arith.constant 0 : index
    %get3A_8 = tpu.vector_load %arg11[%get3A] {strides = array<i32>} : memref<16xf32, #tpu.memory_space<vmem>>, vector<16xf32>,
    %get3A_9 = vector.shape_cast %get3A_8 : vector<16xf32> to vector<16xf32>
    %scan3A = arith.constant 0 : i32
    %scan3A_10 = arith.constant 0 : i32
    %scan3A_11 = arith.constant 5 : i32
    %scan3A_12 = arith.addi %scan3A_10, %scan3A_11 : i32
    %scan3A_13 = arith.constant 1 : i32
    scf.for %scan3A_26 = %scan3A_10 to %scan3A_12 step %scan3A_13  : i32 {
      %mul3A_27 = arith.constant 2 : i32
      %mul3A_28 = arith.muli %mul3A_27, %scan3A_26 : i32
      %add3A_29 = arith.constant 0 : i32
      %add3A_30 = arith.addi %mul3A_28, %add3A_29 : i32
      %add3A_31 = arith.constant 1 : i32
      %add3A_32 = arith.addi %add3A_30, %add3A_31 : i32
      %lt3A = arith.constant 10 : i32
      %lt3A_33 = arith.cmpi slt, %add3A_32, %lt3A : i32
      %convert_element_type3A = arith.extui %lt3A_33 : i1 to i32
      %cond3A = arith.constant 0 : i32
      %cond3A_34 = arith.cmpi ne, %convert_element_type3A, %cond3A : i32
      scf.if %cond3A_34 {
        %add3A_225 = arith.constant 1 : i32
        %add3A_226 = arith.addi %add3A_30, %add3A_225 : i32
        %mul3A_227 = arith.constant 16 : i32
        %mul3A_228 = arith.muli %add3A_226, %mul3A_227 : i32
        %add3A_229 = arith.addi %mul3A_2, %mul3A_228 : i32
        %dma_start3A_230 = arith.constant 0 : i32
        %dma_start3A_231 = tpu.memref_slice %arg2[%add3A_229, %dma_start3A_230] : memref<16384x784xf32, #tpu.memory_space<hbm>> -> memref<16x784xf32, #tpu.memory_space<hbm>>
        %dma_start3A_232 = arith.constant 0 : i32
        %dma_start3A_233 = tpu.memref_slice %arg2[%add3A_229, %dma_start3A_232] : memref<16384x784xf32, #tpu.memory_space<hbm>> -> memref<16x784xf32, #tpu.memory_space<hbm>>
        tpu.enqueue_dma source(%dma_start3A_233 : memref<16x784xf32, #tpu.memory_space<hbm>>) target(%arg7 : memref<16x784xf32, #tpu.memory_space<vmem>>) target_semaphore(%arg13 : memref<!tpu.dma_semaphore, #tpu.memory_space<semaphore_mem>>)
      } else {
      }
      %mul3A_35 = arith.constant 16 : i32
      %mul3A_36 = arith.muli %add3A_30, %mul3A_35 : i32
      %add3A_37 = arith.addi %mul3A_2, %mul3A_36 : i32
      %dma_wait3A_38 = arith.constant 0 : i32
      %dma_wait3A_39 = tpu.memref_slice %arg2[%add3A_37, %dma_wait3A_38] : memref<16384x784xf32, #tpu.memory_space<hbm>> -> memref<16x784xf32, #tpu.memory_space<hbm>>
      %dma_wait3A_40 = arith.constant 0 : i32
      %dma_wait3A_41 = tpu.memref_slice %arg2[%add3A_37, %dma_wait3A_40] : memref<16384x784xf32, #tpu.memory_space<hbm>> -> memref<16x784xf32, #tpu.memory_space<hbm>>
      tpu.wait_dma2 semaphore(%arg12 : memref<!tpu.dma_semaphore, #tpu.memory_space<semaphore_mem>>) src(%dma_wait3A_41 : memref<16x784xf32, #tpu.memory_space<hbm>>) dst(%arg6 : memref<16x784xf32, #tpu.memory_space<vmem>>)
      %gt3A = arith.constant 0 : i32
      %gt3A_42 = arith.cmpi sgt, %scan3A_26, %gt3A : i32
      %convert_element_type3A_43 = arith.extui %gt3A_42 : i1 to i32
      %cond3A_44 = arith.constant 0 : i32
      %cond3A_45 = arith.cmpi ne, %convert_element_type3A_43, %cond3A_44 : i32
      scf.if %cond3A_45 {
        %mul3A_225 = arith.constant 16 : i32
        %mul3A_226 = arith.muli %add3A_30, %mul3A_225 : i32
        %add3A_227 = arith.addi %mul3A_2, %mul3A_226 : i32
        %mul3A_228 = arith.constant 16 : i32
        %mul3A_229 = arith.muli %add3A_227, %mul3A_228 : i32
        %dma_wait3A_230 = tpu.memref_slice %arg5[%mul3A_229] : memref<81920xf32, #tpu.memory_space<hbm>> -> memref<256xf32, #tpu.memory_space<hbm>>
        %dma_wait3A_231 = tpu.memref_slice %arg5[%mul3A_229] : memref<81920xf32, #tpu.memory_space<hbm>> -> memref<256xf32, #tpu.memory_space<hbm>>
        tpu.wait_dma2 semaphore(%arg14 : memref<!tpu.dma_semaphore, #tpu.memory_space<semaphore_mem>>) src(%arg8 : memref<256xf32, #tpu.memory_space<vmem>>) dst(%dma_wait3A_231 : memref<256xf32, #tpu.memory_space<hbm>>)
      } else {
      }
      %parallel_loop3A = arith.constant 0 : i32
      %parallel_loop3A_46 = arith.constant 49 : i32
      %parallel_loop3A_47 = arith.constant 1 : i32
      %parallel_loop3A_48:8 = scf.for %parallel_loop3A_225 = %parallel_loop3A to %parallel_loop3A_46 step %parallel_loop3A_47 iter_args(%parallel_loop3A_226 = %get3A_9, %parallel_loop3A_227 = %get3A_9, %parallel_loop3A_228 = %get3A_9, %parallel_loop3A_229 = %get3A_9, %parallel_loop3A_230 = %get3A_9, %parallel_loop3A_231 = %get3A_9, %parallel_loop3A_232 = %get3A_9, %parallel_loop3A_233 = %get3A_9) -> (vector<16xf32>, vector<16xf32>, vector<16xf32>, vector<16xf32>, vector<16xf32>, vector<16xf32>, vector<16xf32>, vector<16xf32>)  : i32 {
        %parallel_loop3A_234 = arith.constant 16 : i32
        %parallel_loop3A_235 = arith.muli %parallel_loop3A_225, %parallel_loop3A_234 : i32
        %parallel_loop3A_236 = arith.index_cast %parallel_loop3A_235 : i32 to index
        %parallel_loop3A_237 = tpu.vector_load %arg10[%parallel_loop3A_236] {strides = array<i32>} : memref<784xf32, #tpu.memory_space<vmem>>, vector<16xf32>,
        %parallel_loop3A_238 = vector.shape_cast %parallel_loop3A_237 : vector<16xf32> to vector<16xf32>
        %parallel_loop3A_239 = arith.constant 0 : i32
        %parallel_loop3A_240 = arith.index_cast %parallel_loop3A_239 : i32 to index
        %parallel_loop3A_241 = arith.index_cast %parallel_loop3A_235 : i32 to index
        %parallel_loop3A_242 = tpu.vector_load %arg6[%parallel_loop3A_240, %parallel_loop3A_241] {strides = array<i32>} : memref<16x784xf32, #tpu.memory_space<vmem>>, vector<1x16xf32>,
        %parallel_loop3A_243 = vector.shape_cast %parallel_loop3A_242 : vector<1x16xf32> to vector<16xf32>
        %parallel_loop3A_244 = arith.mulf %parallel_loop3A_243, %parallel_loop3A_238 : vector<16xf32>
        %parallel_loop3A_245 = arith.addf %parallel_loop3A_226, %parallel_loop3A_244 : vector<16xf32>
        %parallel_loop3A_246 = arith.constant 1 : i32
        %parallel_loop3A_247 = arith.index_cast %parallel_loop3A_246 : i32 to index
        %parallel_loop3A_248 = arith.index_cast %parallel_loop3A_235 : i32 to index
        %parallel_loop3A_249 = tpu.vector_load %arg6[%parallel_loop3A_247, %parallel_loop3A_248] {strides = array<i32>} : memref<16x784xf32, #tpu.memory_space<vmem>>, vector<1x16xf32>,
        %parallel_loop3A_250 = vector.shape_cast %parallel_loop3A_249 : vector<1x16xf32> to vector<16xf32>
        %parallel_loop3A_251 = arith.mulf %parallel_loop3A_250, %parallel_loop3A_238 : vector<16xf32>
        %parallel_loop3A_252 = arith.addf %parallel_loop3A_227, %parallel_loop3A_251 : vector<16xf32>
        %parallel_loop3A_253 = arith.constant 2 : i32
        %parallel_loop3A_254 = arith.index_cast %parallel_loop3A_253 : i32 to index
        %parallel_loop3A_255 = arith.index_cast %parallel_loop3A_235 : i32 to index
        %parallel_loop3A_256 = tpu.vector_load %arg6[%parallel_loop3A_254, %parallel_loop3A_255] {strides = array<i32>} : memref<16x784xf32, #tpu.memory_space<vmem>>, vector<1x16xf32>,
        %parallel_loop3A_257 = vector.shape_cast %parallel_loop3A_256 : vector<1x16xf32> to vector<16xf32>
        %parallel_loop3A_258 = arith.mulf %parallel_loop3A_257, %parallel_loop3A_238 : vector<16xf32>
        %parallel_loop3A_259 = arith.addf %parallel_loop3A_228, %parallel_loop3A_258 : vector<16xf32>
        %parallel_loop3A_260 = arith.constant 3 : i32
        %parallel_loop3A_261 = arith.index_cast %parallel_loop3A_260 : i32 to index
        %parallel_loop3A_262 = arith.index_cast %parallel_loop3A_235 : i32 to index
        %parallel_loop3A_263 = tpu.vector_load %arg6[%parallel_loop3A_261, %parallel_loop3A_262] {strides = array<i32>} : memref<16x784xf32, #tpu.memory_space<vmem>>, vector<1x16xf32>,
        %parallel_loop3A_264 = vector.shape_cast %parallel_loop3A_263 : vector<1x16xf32> to vector<16xf32>
        %parallel_loop3A_265 = arith.mulf %parallel_loop3A_264, %parallel_loop3A_238 : vector<16xf32>
        %parallel_loop3A_266 = arith.addf %parallel_loop3A_229, %parallel_loop3A_265 : vector<16xf32>
        %parallel_loop3A_267 = arith.constant 4 : i32
        %parallel_loop3A_268 = arith.index_cast %parallel_loop3A_267 : i32 to index
        %parallel_loop3A_269 = arith.index_cast %parallel_loop3A_235 : i32 to index
        %parallel_loop3A_270 = tpu.vector_load %arg6[%parallel_loop3A_268, %parallel_loop3A_269] {strides = array<i32>} : memref<16x784xf32, #tpu.memory_space<vmem>>, vector<1x16xf32>,
        %parallel_loop3A_271 = vector.shape_cast %parallel_loop3A_270 : vector<1x16xf32> to vector<16xf32>
        %parallel_loop3A_272 = arith.mulf %parallel_loop3A_271, %parallel_loop3A_238 : vector<16xf32>
        %parallel_loop3A_273 = arith.addf %parallel_loop3A_230, %parallel_loop3A_272 : vector<16xf32>
        %parallel_loop3A_274 = arith.constant 5 : i32
        %parallel_loop3A_275 = arith.index_cast %parallel_loop3A_274 : i32 to index
        %parallel_loop3A_276 = arith.index_cast %parallel_loop3A_235 : i32 to index
        %parallel_loop3A_277 = tpu.vector_load %arg6[%parallel_loop3A_275, %parallel_loop3A_276] {strides = array<i32>} : memref<16x784xf32, #tpu.memory_space<vmem>>, vector<1x16xf32>,
        %parallel_loop3A_278 = vector.shape_cast %parallel_loop3A_277 : vector<1x16xf32> to vector<16xf32>
        %parallel_loop3A_279 = arith.mulf %parallel_loop3A_278, %parallel_loop3A_238 : vector<16xf32>
        %parallel_loop3A_280 = arith.addf %parallel_loop3A_231, %parallel_loop3A_279 : vector<16xf32>
        %parallel_loop3A_281 = arith.constant 6 : i32
        %parallel_loop3A_282 = arith.index_cast %parallel_loop3A_281 : i32 to index
        %parallel_loop3A_283 = arith.index_cast %parallel_loop3A_235 : i32 to index
        %parallel_loop3A_284 = tpu.vector_load %arg6[%parallel_loop3A_282, %parallel_loop3A_283] {strides = array<i32>} : memref<16x784xf32, #tpu.memory_space<vmem>>, vector<1x16xf32>,
        %parallel_loop3A_285 = vector.shape_cast %parallel_loop3A_284 : vector<1x16xf32> to vector<16xf32>
        %parallel_loop3A_286 = arith.mulf %parallel_loop3A_285, %parallel_loop3A_238 : vector<16xf32>
        %parallel_loop3A_287 = arith.addf %parallel_loop3A_232, %parallel_loop3A_286 : vector<16xf32>
        %parallel_loop3A_288 = arith.constant 7 : i32
        %parallel_loop3A_289 = arith.index_cast %parallel_loop3A_288 : i32 to index
        %parallel_loop3A_290 = arith.index_cast %parallel_loop3A_235 : i32 to index
        %parallel_loop3A_291 = tpu.vector_load %arg6[%parallel_loop3A_289, %parallel_loop3A_290] {strides = array<i32>} : memref<16x784xf32, #tpu.memory_space<vmem>>, vector<1x16xf32>,
        %parallel_loop3A_292 = vector.shape_cast %parallel_loop3A_291 : vector<1x16xf32> to vector<16xf32>
        %parallel_loop3A_293 = arith.mulf %parallel_loop3A_292, %parallel_loop3A_238 : vector<16xf32>
        %parallel_loop3A_294 = arith.addf %parallel_loop3A_233, %parallel_loop3A_293 : vector<16xf32>
        scf.yield %parallel_loop3A_245, %parallel_loop3A_252, %parallel_loop3A_259, %parallel_loop3A_266, %parallel_loop3A_273, %parallel_loop3A_280, %parallel_loop3A_287, %parallel_loop3A_294 : vector<16xf32>, vector<16xf32>, vector<16xf32>, vector<16xf32>, vector<16xf32>, vector<16xf32>, vector<16xf32>, vector<16xf32>
      } {sc.loop_unroll_factor = 7 : i64, sc.parallel_access}
      %swap3A = arith.constant 0 : index
      %swap3A_49 = tpu.vector_load %arg8[%swap3A] {strides = array<i32>} : memref<256xf32, #tpu.memory_space<vmem>>, vector<16xf32>,
      %swap3A_50 = vector.shape_cast %swap3A_49 : vector<16xf32> to vector<16xf32>
      %swap3A_51 = vector.shape_cast %parallel_loop3A_48#0 : vector<16xf32> to vector<16xf32>
      tpu.vector_store %arg8[%swap3A], %swap3A_51 {strides = array<i32>} : memref<256xf32, #tpu.memory_space<vmem>>, vector<16xf32>,
      %swap3A_52 = arith.constant 16 : index
      %swap3A_53 = tpu.vector_load %arg8[%swap3A_52] {strides = array<i32>} : memref<256xf32, #tpu.memory_space<vmem>>, vector<16xf32>,
      %swap3A_54 = vector.shape_cast %swap3A_53 : vector<16xf32> to vector<16xf32>
      %swap3A_55 = vector.shape_cast %parallel_loop3A_48#1 : vector<16xf32> to vector<16xf32>
      tpu.vector_store %arg8[%swap3A_52], %swap3A_55 {strides = array<i32>} : memref<256xf32, #tpu.memory_space<vmem>>, vector<16xf32>,
      %swap3A_56 = arith.constant 32 : index
      %swap3A_57 = tpu.vector_load %arg8[%swap3A_56] {strides = array<i32>} : memref<256xf32, #tpu.memory_space<vmem>>, vector<16xf32>,
      %swap3A_58 = vector.shape_cast %swap3A_57 : vector<16xf32> to vector<16xf32>
      %swap3A_59 = vector.shape_cast %parallel_loop3A_48#2 : vector<16xf32> to vector<16xf32>
      tpu.vector_store %arg8[%swap3A_56], %swap3A_59 {strides = array<i32>} : memref<256xf32, #tpu.memory_space<vmem>>, vector<16xf32>,
      %swap3A_60 = arith.constant 48 : index
      %swap3A_61 = tpu.vector_load %arg8[%swap3A_60] {strides = array<i32>} : memref<256xf32, #tpu.memory_space<vmem>>, vector<16xf32>,
      %swap3A_62 = vector.shape_cast %swap3A_61 : vector<16xf32> to vector<16xf32>
      %swap3A_63 = vector.shape_cast %parallel_loop3A_48#3 : vector<16xf32> to vector<16xf32>
      tpu.vector_store %arg8[%swap3A_60], %swap3A_63 {strides = array<i32>} : memref<256xf32, #tpu.memory_space<vmem>>, vector<16xf32>,
      %swap3A_64 = arith.constant 64 : index
      %swap3A_65 = tpu.vector_load %arg8[%swap3A_64] {strides = array<i32>} : memref<256xf32, #tpu.memory_space<vmem>>, vector<16xf32>,
      %swap3A_66 = vector.shape_cast %swap3A_65 : vector<16xf32> to vector<16xf32>
      %swap3A_67 = vector.shape_cast %parallel_loop3A_48#4 : vector<16xf32> to vector<16xf32>
      tpu.vector_store %arg8[%swap3A_64], %swap3A_67 {strides = array<i32>} : memref<256xf32, #tpu.memory_space<vmem>>, vector<16xf32>,
      %swap3A_68 = arith.constant 80 : index
      %swap3A_69 = tpu.vector_load %arg8[%swap3A_68] {strides = array<i32>} : memref<256xf32, #tpu.memory_space<vmem>>, vector<16xf32>,
      %swap3A_70 = vector.shape_cast %swap3A_69 : vector<16xf32> to vector<16xf32>
      %swap3A_71 = vector.shape_cast %parallel_loop3A_48#5 : vector<16xf32> to vector<16xf32>
      tpu.vector_store %arg8[%swap3A_68], %swap3A_71 {strides = array<i32>} : memref<256xf32, #tpu.memory_space<vmem>>, vector<16xf32>,
      %swap3A_72 = arith.constant 96 : index
      %swap3A_73 = tpu.vector_load %arg8[%swap3A_72] {strides = array<i32>} : memref<256xf32, #tpu.memory_space<vmem>>, vector<16xf32>,
      %swap3A_74 = vector.shape_cast %swap3A_73 : vector<16xf32> to vector<16xf32>
      %swap3A_75 = vector.shape_cast %parallel_loop3A_48#6 : vector<16xf32> to vector<16xf32>
      tpu.vector_store %arg8[%swap3A_72], %swap3A_75 {strides = array<i32>} : memref<256xf32, #tpu.memory_space<vmem>>, vector<16xf32>,
      %swap3A_76 = arith.constant 112 : index
      %swap3A_77 = tpu.vector_load %arg8[%swap3A_76] {strides = array<i32>} : memref<256xf32, #tpu.memory_space<vmem>>, vector<16xf32>,
      %swap3A_78 = vector.shape_cast %swap3A_77 : vector<16xf32> to vector<16xf32>
      %swap3A_79 = vector.shape_cast %parallel_loop3A_48#7 : vector<16xf32> to vector<16xf32>
      tpu.vector_store %arg8[%swap3A_76], %swap3A_79 {strides = array<i32>} : memref<256xf32, #tpu.memory_space<vmem>>, vector<16xf32>,
      %parallel_loop3A_80 = arith.constant 0 : i32
      %parallel_loop3A_81 = arith.constant 49 : i32
      %parallel_loop3A_82 = arith.constant 1 : i32
      %parallel_loop3A_83:8 = scf.for %parallel_loop3A_225 = %parallel_loop3A_80 to %parallel_loop3A_81 step %parallel_loop3A_82 iter_args(%parallel_loop3A_226 = %get3A_9, %parallel_loop3A_227 = %get3A_9, %parallel_loop3A_228 = %get3A_9, %parallel_loop3A_229 = %get3A_9, %parallel_loop3A_230 = %get3A_9, %parallel_loop3A_231 = %get3A_9, %parallel_loop3A_232 = %get3A_9, %parallel_loop3A_233 = %get3A_9) -> (vector<16xf32>, vector<16xf32>, vector<16xf32>, vector<16xf32>, vector<16xf32>, vector<16xf32>, vector<16xf32>, vector<16xf32>)  : i32 {
        %parallel_loop3A_234 = arith.constant 16 : i32
        %parallel_loop3A_235 = arith.muli %parallel_loop3A_225, %parallel_loop3A_234 : i32
        %parallel_loop3A_236 = arith.index_cast %parallel_loop3A_235 : i32 to index
        %parallel_loop3A_237 = tpu.vector_load %arg10[%parallel_loop3A_236] {strides = array<i32>} : memref<784xf32, #tpu.memory_space<vmem>>, vector<16xf32>,
        %parallel_loop3A_238 = vector.shape_cast %parallel_loop3A_237 : vector<16xf32> to vector<16xf32>
        %parallel_loop3A_239 = arith.constant 8 : i32
        %parallel_loop3A_240 = arith.index_cast %parallel_loop3A_239 : i32 to index
        %parallel_loop3A_241 = arith.index_cast %parallel_loop3A_235 : i32 to index
        %parallel_loop3A_242 = tpu.vector_load %arg6[%parallel_loop3A_240, %parallel_loop3A_241] {strides = array<i32>} : memref<16x784xf32, #tpu.memory_space<vmem>>, vector<1x16xf32>,
        %parallel_loop3A_243 = vector.shape_cast %parallel_loop3A_242 : vector<1x16xf32> to vector<16xf32>
        %parallel_loop3A_244 = arith.mulf %parallel_loop3A_243, %parallel_loop3A_238 : vector<16xf32>
        %parallel_loop3A_245 = arith.addf %parallel_loop3A_226, %parallel_loop3A_244 : vector<16xf32>
        %parallel_loop3A_246 = arith.constant 9 : i32
        %parallel_loop3A_247 = arith.index_cast %parallel_loop3A_246 : i32 to index
        %parallel_loop3A_248 = arith.index_cast %parallel_loop3A_235 : i32 to index
        %parallel_loop3A_249 = tpu.vector_load %arg6[%parallel_loop3A_247, %parallel_loop3A_248] {strides = array<i32>} : memref<16x784xf32, #tpu.memory_space<vmem>>, vector<1x16xf32>,
        %parallel_loop3A_250 = vector.shape_cast %parallel_loop3A_249 : vector<1x16xf32> to vector<16xf32>
        %parallel_loop3A_251 = arith.mulf %parallel_loop3A_250, %parallel_loop3A_238 : vector<16xf32>
        %parallel_loop3A_252 = arith.addf %parallel_loop3A_227, %parallel_loop3A_251 : vector<16xf32>
        %parallel_loop3A_253 = arith.constant 10 : i32
        %parallel_loop3A_254 = arith.index_cast %parallel_loop3A_253 : i32 to index
        %parallel_loop3A_255 = arith.index_cast %parallel_loop3A_235 : i32 to index
        %parallel_loop3A_256 = tpu.vector_load %arg6[%parallel_loop3A_254, %parallel_loop3A_255] {strides = array<i32>} : memref<16x784xf32, #tpu.memory_space<vmem>>, vector<1x16xf32>,
        %parallel_loop3A_257 = vector.shape_cast %parallel_loop3A_256 : vector<1x16xf32> to vector<16xf32>
        %parallel_loop3A_258 = arith.mulf %parallel_loop3A_257, %parallel_loop3A_238 : vector<16xf32>
        %parallel_loop3A_259 = arith.addf %parallel_loop3A_228, %parallel_loop3A_258 : vector<16xf32>
        %parallel_loop3A_260 = arith.constant 11 : i32
        %parallel_loop3A_261 = arith.index_cast %parallel_loop3A_260 : i32 to index
        %parallel_loop3A_262 = arith.index_cast %parallel_loop3A_235 : i32 to index
        %parallel_loop3A_263 = tpu.vector_load %arg6[%parallel_loop3A_261, %parallel_loop3A_262] {strides = array<i32>} : memref<16x784xf32, #tpu.memory_space<vmem>>, vector<1x16xf32>,
        %parallel_loop3A_264 = vector.shape_cast %parallel_loop3A_263 : vector<1x16xf32> to vector<16xf32>
        %parallel_loop3A_265 = arith.mulf %parallel_loop3A_264, %parallel_loop3A_238 : vector<16xf32>
        %parallel_loop3A_266 = arith.addf %parallel_loop3A_229, %parallel_loop3A_265 : vector<16xf32>
        %parallel_loop3A_267 = arith.constant 12 : i32
        %parallel_loop3A_268 = arith.index_cast %parallel_loop3A_267 : i32 to index
        %parallel_loop3A_269 = arith.index_cast %parallel_loop3A_235 : i32 to index
        %parallel_loop3A_270 = tpu.vector_load %arg6[%parallel_loop3A_268, %parallel_loop3A_269] {strides = array<i32>} : memref<16x784xf32, #tpu.memory_space<vmem>>, vector<1x16xf32>,
        %parallel_loop3A_271 = vector.shape_cast %parallel_loop3A_270 : vector<1x16xf32> to vector<16xf32>
        %parallel_loop3A_272 = arith.mulf %parallel_loop3A_271, %parallel_loop3A_238 : vector<16xf32>
        %parallel_loop3A_273 = arith.addf %parallel_loop3A_230, %parallel_loop3A_272 : vector<16xf32>
        %parallel_loop3A_274 = arith.constant 13 : i32
        %parallel_loop3A_275 = arith.index_cast %parallel_loop3A_274 : i32 to index
        %parallel_loop3A_276 = arith.index_cast %parallel_loop3A_235 : i32 to index
        %parallel_loop3A_277 = tpu.vector_load %arg6[%parallel_loop3A_275, %parallel_loop3A_276] {strides = array<i32>} : memref<16x784xf32, #tpu.memory_space<vmem>>, vector<1x16xf32>,
        %parallel_loop3A_278 = vector.shape_cast %parallel_loop3A_277 : vector<1x16xf32> to vector<16xf32>
        %parallel_loop3A_279 = arith.mulf %parallel_loop3A_278, %parallel_loop3A_238 : vector<16xf32>
        %parallel_loop3A_280 = arith.addf %parallel_loop3A_231, %parallel_loop3A_279 : vector<16xf32>
        %parallel_loop3A_281 = arith.constant 14 : i32
        %parallel_loop3A_282 = arith.index_cast %parallel_loop3A_281 : i32 to index
        %parallel_loop3A_283 = arith.index_cast %parallel_loop3A_235 : i32 to index
        %parallel_loop3A_284 = tpu.vector_load %arg6[%parallel_loop3A_282, %parallel_loop3A_283] {strides = array<i32>} : memref<16x784xf32, #tpu.memory_space<vmem>>, vector<1x16xf32>,
        %parallel_loop3A_285 = vector.shape_cast %parallel_loop3A_284 : vector<1x16xf32> to vector<16xf32>
        %parallel_loop3A_286 = arith.mulf %parallel_loop3A_285, %parallel_loop3A_238 : vector<16xf32>
        %parallel_loop3A_287 = arith.addf %parallel_loop3A_232, %parallel_loop3A_286 : vector<16xf32>
        %parallel_loop3A_288 = arith.constant 15 : i32
        %parallel_loop3A_289 = arith.index_cast %parallel_loop3A_288 : i32 to index
        %parallel_loop3A_290 = arith.index_cast %parallel_loop3A_235 : i32 to index
        %parallel_loop3A_291 = tpu.vector_load %arg6[%parallel_loop3A_289, %parallel_loop3A_290] {strides = array<i32>} : memref<16x784xf32, #tpu.memory_space<vmem>>, vector<1x16xf32>,
        %parallel_loop3A_292 = vector.shape_cast %parallel_loop3A_291 : vector<1x16xf32> to vector<16xf32>
        %parallel_loop3A_293 = arith.mulf %parallel_loop3A_292, %parallel_loop3A_238 : vector<16xf32>
        %parallel_loop3A_294 = arith.addf %parallel_loop3A_233, %parallel_loop3A_293 : vector<16xf32>
        scf.yield %parallel_loop3A_245, %parallel_loop3A_252, %parallel_loop3A_259, %parallel_loop3A_266, %parallel_loop3A_273, %parallel_loop3A_280, %parallel_loop3A_287, %parallel_loop3A_294 : vector<16xf32>, vector<16xf32>, vector<16xf32>, vector<16xf32>, vector<16xf32>, vector<16xf32>, vector<16xf32>, vector<16xf32>
      } {sc.loop_unroll_factor = 7 : i64, sc.parallel_access}
      %swap3A_84 = arith.constant 128 : index
      %swap3A_85 = tpu.vector_load %arg8[%swap3A_84] {strides = array<i32>} : memref<256xf32, #tpu.memory_space<vmem>>, vector<16xf32>,
      %swap3A_86 = vector.shape_cast %swap3A_85 : vector<16xf32> to vector<16xf32>
      %swap3A_87 = vector.shape_cast %parallel_loop3A_83#0 : vector<16xf32> to vector<16xf32>
      tpu.vector_store %arg8[%swap3A_84], %swap3A_87 {strides = array<i32>} : memref<256xf32, #tpu.memory_space<vmem>>, vector<16xf32>,
      %swap3A_88 = arith.constant 144 : index
      %swap3A_89 = tpu.vector_load %arg8[%swap3A_88] {strides = array<i32>} : memref<256xf32, #tpu.memory_space<vmem>>, vector<16xf32>,
      %swap3A_90 = vector.shape_cast %swap3A_89 : vector<16xf32> to vector<16xf32>
      %swap3A_91 = vector.shape_cast %parallel_loop3A_83#1 : vector<16xf32> to vector<16xf32>
      tpu.vector_store %arg8[%swap3A_88], %swap3A_91 {strides = array<i32>} : memref<256xf32, #tpu.memory_space<vmem>>, vector<16xf32>,
      %swap3A_92 = arith.constant 160 : index
      %swap3A_93 = tpu.vector_load %arg8[%swap3A_92] {strides = array<i32>} : memref<256xf32, #tpu.memory_space<vmem>>, vector<16xf32>,
      %swap3A_94 = vector.shape_cast %swap3A_93 : vector<16xf32> to vector<16xf32>
      %swap3A_95 = vector.shape_cast %parallel_loop3A_83#2 : vector<16xf32> to vector<16xf32>
      tpu.vector_store %arg8[%swap3A_92], %swap3A_95 {strides = array<i32>} : memref<256xf32, #tpu.memory_space<vmem>>, vector<16xf32>,
      %swap3A_96 = arith.constant 176 : index
      %swap3A_97 = tpu.vector_load %arg8[%swap3A_96] {strides = array<i32>} : memref<256xf32, #tpu.memory_space<vmem>>, vector<16xf32>,
      %swap3A_98 = vector.shape_cast %swap3A_97 : vector<16xf32> to vector<16xf32>
      %swap3A_99 = vector.shape_cast %parallel_loop3A_83#3 : vector<16xf32> to vector<16xf32>
      tpu.vector_store %arg8[%swap3A_96], %swap3A_99 {strides = array<i32>} : memref<256xf32, #tpu.memory_space<vmem>>, vector<16xf32>,
      %swap3A_100 = arith.constant 192 : index
      %swap3A_101 = tpu.vector_load %arg8[%swap3A_100] {strides = array<i32>} : memref<256xf32, #tpu.memory_space<vmem>>, vector<16xf32>,
      %swap3A_102 = vector.shape_cast %swap3A_101 : vector<16xf32> to vector<16xf32>
      %swap3A_103 = vector.shape_cast %parallel_loop3A_83#4 : vector<16xf32> to vector<16xf32>
      tpu.vector_store %arg8[%swap3A_100], %swap3A_103 {strides = array<i32>} : memref<256xf32, #tpu.memory_space<vmem>>, vector<16xf32>,
      %swap3A_104 = arith.constant 208 : index
      %swap3A_105 = tpu.vector_load %arg8[%swap3A_104] {strides = array<i32>} : memref<256xf32, #tpu.memory_space<vmem>>, vector<16xf32>,
      %swap3A_106 = vector.shape_cast %swap3A_105 : vector<16xf32> to vector<16xf32>
      %swap3A_107 = vector.shape_cast %parallel_loop3A_83#5 : vector<16xf32> to vector<16xf32>
      tpu.vector_store %arg8[%swap3A_104], %swap3A_107 {strides = array<i32>} : memref<256xf32, #tpu.memory_space<vmem>>, vector<16xf32>,
      %swap3A_108 = arith.constant 224 : index
      %swap3A_109 = tpu.vector_load %arg8[%swap3A_108] {strides = array<i32>} : memref<256xf32, #tpu.memory_space<vmem>>, vector<16xf32>,
      %swap3A_110 = vector.shape_cast %swap3A_109 : vector<16xf32> to vector<16xf32>
      %swap3A_111 = vector.shape_cast %parallel_loop3A_83#6 : vector<16xf32> to vector<16xf32>
      tpu.vector_store %arg8[%swap3A_108], %swap3A_111 {strides = array<i32>} : memref<256xf32, #tpu.memory_space<vmem>>, vector<16xf32>,
      %swap3A_112 = arith.constant 240 : index
      %swap3A_113 = tpu.vector_load %arg8[%swap3A_112] {strides = array<i32>} : memref<256xf32, #tpu.memory_space<vmem>>, vector<16xf32>,
      %swap3A_114 = vector.shape_cast %swap3A_113 : vector<16xf32> to vector<16xf32>
      %swap3A_115 = vector.shape_cast %parallel_loop3A_83#7 : vector<16xf32> to vector<16xf32>
      tpu.vector_store %arg8[%swap3A_112], %swap3A_115 {strides = array<i32>} : memref<256xf32, #tpu.memory_space<vmem>>, vector<16xf32>,
      %mul3A_116 = arith.constant 16 : i32
      %mul3A_117 = arith.muli %add3A_30, %mul3A_116 : i32
      %add3A_118 = arith.addi %mul3A_2, %mul3A_117 : i32
      %mul3A_119 = arith.constant 16 : i32
      %mul3A_120 = arith.muli %add3A_118, %mul3A_119 : i32
      %dma_start3A_121 = tpu.memref_slice %arg5[%mul3A_120] : memref<81920xf32, #tpu.memory_space<hbm>> -> memref<256xf32, #tpu.memory_space<hbm>>
      %dma_start3A_122 = tpu.memref_slice %arg5[%mul3A_120] : memref<81920xf32, #tpu.memory_space<hbm>> -> memref<256xf32, #tpu.memory_space<hbm>>
      tpu.enqueue_dma source(%arg8 : memref<256xf32, #tpu.memory_space<vmem>>) target(%dma_start3A_122 : memref<256xf32, #tpu.memory_space<hbm>>) target_semaphore(%arg14 : memref<!tpu.dma_semaphore, #tpu.memory_space<semaphore_mem>>)
      %mul3A_123 = arith.constant 2 : i32
      %mul3A_124 = arith.muli %mul3A_123, %scan3A_26 : i32
      %add3A_125 = arith.constant 1 : i32
      %add3A_126 = arith.addi %mul3A_124, %add3A_125 : i32
      %add3A_127 = arith.constant 1 : i32
      %add3A_128 = arith.addi %add3A_126, %add3A_127 : i32
      %lt3A_129 = arith.constant 10 : i32
      %lt3A_130 = arith.cmpi slt, %add3A_128, %lt3A_129 : i32
      %convert_element_type3A_131 = arith.extui %lt3A_130 : i1 to i32
      %cond3A_132 = arith.constant 0 : i32
      %cond3A_133 = arith.cmpi ne, %convert_element_type3A_131, %cond3A_132 : i32
      scf.if %cond3A_133 {
        %add3A_225 = arith.constant 1 : i32
        %add3A_226 = arith.addi %add3A_126, %add3A_225 : i32
        %mul3A_227 = arith.constant 16 : i32
        %mul3A_228 = arith.muli %add3A_226, %mul3A_227 : i32
        %add3A_229 = arith.addi %mul3A_2, %mul3A_228 : i32
        %dma_start3A_230 = arith.constant 0 : i32
        %dma_start3A_231 = tpu.memref_slice %arg2[%add3A_229, %dma_start3A_230] : memref<16384x784xf32, #tpu.memory_space<hbm>> -> memref<16x784xf32, #tpu.memory_space<hbm>>
        %dma_start3A_232 = arith.constant 0 : i32
        %dma_start3A_233 = tpu.memref_slice %arg2[%add3A_229, %dma_start3A_232] : memref<16384x784xf32, #tpu.memory_space<hbm>> -> memref<16x784xf32, #tpu.memory_space<hbm>>
        tpu.enqueue_dma source(%dma_start3A_233 : memref<16x784xf32, #tpu.memory_space<hbm>>) target(%arg6 : memref<16x784xf32, #tpu.memory_space<vmem>>) target_semaphore(%arg12 : memref<!tpu.dma_semaphore, #tpu.memory_space<semaphore_mem>>)
      } else {
      }
      %mul3A_134 = arith.constant 16 : i32
      %mul3A_135 = arith.muli %add3A_126, %mul3A_134 : i32
      %add3A_136 = arith.addi %mul3A_2, %mul3A_135 : i32
      %dma_wait3A_137 = arith.constant 0 : i32
      %dma_wait3A_138 = tpu.memref_slice %arg2[%add3A_136, %dma_wait3A_137] : memref<16384x784xf32, #tpu.memory_space<hbm>> -> memref<16x784xf32, #tpu.memory_space<hbm>>
      %dma_wait3A_139 = arith.constant 0 : i32
      %dma_wait3A_140 = tpu.memref_slice %arg2[%add3A_136, %dma_wait3A_139] : memref<16384x784xf32, #tpu.memory_space<hbm>> -> memref<16x784xf32, #tpu.memory_space<hbm>>
      tpu.wait_dma2 semaphore(%arg13 : memref<!tpu.dma_semaphore, #tpu.memory_space<semaphore_mem>>) src(%dma_wait3A_140 : memref<16x784xf32, #tpu.memory_space<hbm>>) dst(%arg7 : memref<16x784xf32, #tpu.memory_space<vmem>>)
      %gt3A_141 = arith.constant 0 : i32
      %gt3A_142 = arith.cmpi sgt, %scan3A_26, %gt3A_141 : i32
      %convert_element_type3A_143 = arith.extui %gt3A_142 : i1 to i32
      %cond3A_144 = arith.constant 0 : i32
      %cond3A_145 = arith.cmpi ne, %convert_element_type3A_143, %cond3A_144 : i32
      scf.if %cond3A_145 {
        %mul3A_225 = arith.constant 16 : i32
        %mul3A_226 = arith.muli %add3A_126, %mul3A_225 : i32
        %add3A_227 = arith.addi %mul3A_2, %mul3A_226 : i32
        %mul3A_228 = arith.constant 16 : i32
        %mul3A_229 = arith.muli %add3A_227, %mul3A_228 : i32
        %dma_wait3A_230 = tpu.memref_slice %arg5[%mul3A_229] : memref<81920xf32, #tpu.memory_space<hbm>> -> memref<256xf32, #tpu.memory_space<hbm>>
        %dma_wait3A_231 = tpu.memref_slice %arg5[%mul3A_229] : memref<81920xf32, #tpu.memory_space<hbm>> -> memref<256xf32, #tpu.memory_space<hbm>>
        tpu.wait_dma2 semaphore(%arg15 : memref<!tpu.dma_semaphore, #tpu.memory_space<semaphore_mem>>) src(%arg9 : memref<256xf32, #tpu.memory_space<vmem>>) dst(%dma_wait3A_231 : memref<256xf32, #tpu.memory_space<hbm>>)
      } else {
      }
      %parallel_loop3A_146 = arith.constant 0 : i32
      %parallel_loop3A_147 = arith.constant 49 : i32
      %parallel_loop3A_148 = arith.constant 1 : i32
      %parallel_loop3A_149:8 = scf.for %parallel_loop3A_225 = %parallel_loop3A_146 to %parallel_loop3A_147 step %parallel_loop3A_148 iter_args(%parallel_loop3A_226 = %get3A_9, %parallel_loop3A_227 = %get3A_9, %parallel_loop3A_228 = %get3A_9, %parallel_loop3A_229 = %get3A_9, %parallel_loop3A_230 = %get3A_9, %parallel_loop3A_231 = %get3A_9, %parallel_loop3A_232 = %get3A_9, %parallel_loop3A_233 = %get3A_9) -> (vector<16xf32>, vector<16xf32>, vector<16xf32>, vector<16xf32>, vector<16xf32>, vector<16xf32>, vector<16xf32>, vector<16xf32>)  : i32 {
        %parallel_loop3A_234 = arith.constant 16 : i32
        %parallel_loop3A_235 = arith.muli %parallel_loop3A_225, %parallel_loop3A_234 : i32
        %parallel_loop3A_236 = arith.index_cast %parallel_loop3A_235 : i32 to index
        %parallel_loop3A_237 = tpu.vector_load %arg10[%parallel_loop3A_236] {strides = array<i32>} : memref<784xf32, #tpu.memory_space<vmem>>, vector<16xf32>,
        %parallel_loop3A_238 = vector.shape_cast %parallel_loop3A_237 : vector<16xf32> to vector<16xf32>
        %parallel_loop3A_239 = arith.constant 0 : i32
        %parallel_loop3A_240 = arith.index_cast %parallel_loop3A_239 : i32 to index
        %parallel_loop3A_241 = arith.index_cast %parallel_loop3A_235 : i32 to index
        %parallel_loop3A_242 = tpu.vector_load %arg7[%parallel_loop3A_240, %parallel_loop3A_241] {strides = array<i32>} : memref<16x784xf32, #tpu.memory_space<vmem>>, vector<1x16xf32>,
        %parallel_loop3A_243 = vector.shape_cast %parallel_loop3A_242 : vector<1x16xf32> to vector<16xf32>
        %parallel_loop3A_244 = arith.mulf %parallel_loop3A_243, %parallel_loop3A_238 : vector<16xf32>
        %parallel_loop3A_245 = arith.addf %parallel_loop3A_226, %parallel_loop3A_244 : vector<16xf32>
        %parallel_loop3A_246 = arith.constant 1 : i32
        %parallel_loop3A_247 = arith.index_cast %parallel_loop3A_246 : i32 to index
        %parallel_loop3A_248 = arith.index_cast %parallel_loop3A_235 : i32 to index
        %parallel_loop3A_249 = tpu.vector_load %arg7[%parallel_loop3A_247, %parallel_loop3A_248] {strides = array<i32>} : memref<16x784xf32, #tpu.memory_space<vmem>>, vector<1x16xf32>,
        %parallel_loop3A_250 = vector.shape_cast %parallel_loop3A_249 : vector<1x16xf32> to vector<16xf32>
        %parallel_loop3A_251 = arith.mulf %parallel_loop3A_250, %parallel_loop3A_238 : vector<16xf32>
        %parallel_loop3A_252 = arith.addf %parallel_loop3A_227, %parallel_loop3A_251 : vector<16xf32>
        %parallel_loop3A_253 = arith.constant 2 : i32
        %parallel_loop3A_254 = arith.index_cast %parallel_loop3A_253 : i32 to index
        %parallel_loop3A_255 = arith.index_cast %parallel_loop3A_235 : i32 to index
        %parallel_loop3A_256 = tpu.vector_load %arg7[%parallel_loop3A_254, %parallel_loop3A_255] {strides = array<i32>} : memref<16x784xf32, #tpu.memory_space<vmem>>, vector<1x16xf32>,
        %parallel_loop3A_257 = vector.shape_cast %parallel_loop3A_256 : vector<1x16xf32> to vector<16xf32>
        %parallel_loop3A_258 = arith.mulf %parallel_loop3A_257, %parallel_loop3A_238 : vector<16xf32>
        %parallel_loop3A_259 = arith.addf %parallel_loop3A_228, %parallel_loop3A_258 : vector<16xf32>
        %parallel_loop3A_260 = arith.constant 3 : i32
        %parallel_loop3A_261 = arith.index_cast %parallel_loop3A_260 : i32 to index
        %parallel_loop3A_262 = arith.index_cast %parallel_loop3A_235 : i32 to index
        %parallel_loop3A_263 = tpu.vector_load %arg7[%parallel_loop3A_261, %parallel_loop3A_262] {strides = array<i32>} : memref<16x784xf32, #tpu.memory_space<vmem>>, vector<1x16xf32>,
        %parallel_loop3A_264 = vector.shape_cast %parallel_loop3A_263 : vector<1x16xf32> to vector<16xf32>
        %parallel_loop3A_265 = arith.mulf %parallel_loop3A_264, %parallel_loop3A_238 : vector<16xf32>
        %parallel_loop3A_266 = arith.addf %parallel_loop3A_229, %parallel_loop3A_265 : vector<16xf32>
        %parallel_loop3A_267 = arith.constant 4 : i32
        %parallel_loop3A_268 = arith.index_cast %parallel_loop3A_267 : i32 to index
        %parallel_loop3A_269 = arith.index_cast %parallel_loop3A_235 : i32 to index
        %parallel_loop3A_270 = tpu.vector_load %arg7[%parallel_loop3A_268, %parallel_loop3A_269] {strides = array<i32>} : memref<16x784xf32, #tpu.memory_space<vmem>>, vector<1x16xf32>,
        %parallel_loop3A_271 = vector.shape_cast %parallel_loop3A_270 : vector<1x16xf32> to vector<16xf32>
        %parallel_loop3A_272 = arith.mulf %parallel_loop3A_271, %parallel_loop3A_238 : vector<16xf32>
        %parallel_loop3A_273 = arith.addf %parallel_loop3A_230, %parallel_loop3A_272 : vector<16xf32>
        %parallel_loop3A_274 = arith.constant 5 : i32
        %parallel_loop3A_275 = arith.index_cast %parallel_loop3A_274 : i32 to index
        %parallel_loop3A_276 = arith.index_cast %parallel_loop3A_235 : i32 to index
        %parallel_loop3A_277 = tpu.vector_load %arg7[%parallel_loop3A_275, %parallel_loop3A_276] {strides = array<i32>} : memref<16x784xf32, #tpu.memory_space<vmem>>, vector<1x16xf32>,
        %parallel_loop3A_278 = vector.shape_cast %parallel_loop3A_277 : vector<1x16xf32> to vector<16xf32>
        %parallel_loop3A_279 = arith.mulf %parallel_loop3A_278, %parallel_loop3A_238 : vector<16xf32>
        %parallel_loop3A_280 = arith.addf %parallel_loop3A_231, %parallel_loop3A_279 : vector<16xf32>
        %parallel_loop3A_281 = arith.constant 6 : i32
        %parallel_loop3A_282 = arith.index_cast %parallel_loop3A_281 : i32 to index
        %parallel_loop3A_283 = arith.index_cast %parallel_loop3A_235 : i32 to index
        %parallel_loop3A_284 = tpu.vector_load %arg7[%parallel_loop3A_282, %parallel_loop3A_283] {strides = array<i32>} : memref<16x784xf32, #tpu.memory_space<vmem>>, vector<1x16xf32>,
        %parallel_loop3A_285 = vector.shape_cast %parallel_loop3A_284 : vector<1x16xf32> to vector<16xf32>
        %parallel_loop3A_286 = arith.mulf %parallel_loop3A_285, %parallel_loop3A_238 : vector<16xf32>
        %parallel_loop3A_287 = arith.addf %parallel_loop3A_232, %parallel_loop3A_286 : vector<16xf32>
        %parallel_loop3A_288 = arith.constant 7 : i32
        %parallel_loop3A_289 = arith.index_cast %parallel_loop3A_288 : i32 to index
        %parallel_loop3A_290 = arith.index_cast %parallel_loop3A_235 : i32 to index
        %parallel_loop3A_291 = tpu.vector_load %arg7[%parallel_loop3A_289, %parallel_loop3A_290] {strides = array<i32>} : memref<16x784xf32, #tpu.memory_space<vmem>>, vector<1x16xf32>,
        %parallel_loop3A_292 = vector.shape_cast %parallel_loop3A_291 : vector<1x16xf32> to vector<16xf32>
        %parallel_loop3A_293 = arith.mulf %parallel_loop3A_292, %parallel_loop3A_238 : vector<16xf32>
        %parallel_loop3A_294 = arith.addf %parallel_loop3A_233, %parallel_loop3A_293 : vector<16xf32>
        scf.yield %parallel_loop3A_245, %parallel_loop3A_252, %parallel_loop3A_259, %parallel_loop3A_266, %parallel_loop3A_273, %parallel_loop3A_280, %parallel_loop3A_287, %parallel_loop3A_294 : vector<16xf32>, vector<16xf32>, vector<16xf32>, vector<16xf32>, vector<16xf32>, vector<16xf32>, vector<16xf32>, vector<16xf32>
      } {sc.loop_unroll_factor = 7 : i64, sc.parallel_access}
      %swap3A_150 = arith.constant 0 : index
      %swap3A_151 = tpu.vector_load %arg9[%swap3A_150] {strides = array<i32>} : memref<256xf32, #tpu.memory_space<vmem>>, vector<16xf32>,
      %swap3A_152 = vector.shape_cast %swap3A_151 : vector<16xf32> to vector<16xf32>
      %swap3A_153 = vector.shape_cast %parallel_loop3A_149#0 : vector<16xf32> to vector<16xf32>
      tpu.vector_store %arg9[%swap3A_150], %swap3A_153 {strides = array<i32>} : memref<256xf32, #tpu.memory_space<vmem>>, vector<16xf32>,
      %swap3A_154 = arith.constant 16 : index
      %swap3A_155 = tpu.vector_load %arg9[%swap3A_154] {strides = array<i32>} : memref<256xf32, #tpu.memory_space<vmem>>, vector<16xf32>,
      %swap3A_156 = vector.shape_cast %swap3A_155 : vector<16xf32> to vector<16xf32>
      %swap3A_157 = vector.shape_cast %parallel_loop3A_149#1 : vector<16xf32> to vector<16xf32>
      tpu.vector_store %arg9[%swap3A_154], %swap3A_157 {strides = array<i32>} : memref<256xf32, #tpu.memory_space<vmem>>, vector<16xf32>,
      %swap3A_158 = arith.constant 32 : index
      %swap3A_159 = tpu.vector_load %arg9[%swap3A_158] {strides = array<i32>} : memref<256xf32, #tpu.memory_space<vmem>>, vector<16xf32>,
      %swap3A_160 = vector.shape_cast %swap3A_159 : vector<16xf32> to vector<16xf32>
      %swap3A_161 = vector.shape_cast %parallel_loop3A_149#2 : vector<16xf32> to vector<16xf32>
      tpu.vector_store %arg9[%swap3A_158], %swap3A_161 {strides = array<i32>} : memref<256xf32, #tpu.memory_space<vmem>>, vector<16xf32>,
      %swap3A_162 = arith.constant 48 : index
      %swap3A_163 = tpu.vector_load %arg9[%swap3A_162] {strides = array<i32>} : memref<256xf32, #tpu.memory_space<vmem>>, vector<16xf32>,
      %swap3A_164 = vector.shape_cast %swap3A_163 : vector<16xf32> to vector<16xf32>
      %swap3A_165 = vector.shape_cast %parallel_loop3A_149#3 : vector<16xf32> to vector<16xf32>
      tpu.vector_store %arg9[%swap3A_162], %swap3A_165 {strides = array<i32>} : memref<256xf32, #tpu.memory_space<vmem>>, vector<16xf32>,
      %swap3A_166 = arith.constant 64 : index
      %swap3A_167 = tpu.vector_load %arg9[%swap3A_166] {strides = array<i32>} : memref<256xf32, #tpu.memory_space<vmem>>, vector<16xf32>,
      %swap3A_168 = vector.shape_cast %swap3A_167 : vector<16xf32> to vector<16xf32>
      %swap3A_169 = vector.shape_cast %parallel_loop3A_149#4 : vector<16xf32> to vector<16xf32>
      tpu.vector_store %arg9[%swap3A_166], %swap3A_169 {strides = array<i32>} : memref<256xf32, #tpu.memory_space<vmem>>, vector<16xf32>,
      %swap3A_170 = arith.constant 80 : index
      %swap3A_171 = tpu.vector_load %arg9[%swap3A_170] {strides = array<i32>} : memref<256xf32, #tpu.memory_space<vmem>>, vector<16xf32>,
      %swap3A_172 = vector.shape_cast %swap3A_171 : vector<16xf32> to vector<16xf32>
      %swap3A_173 = vector.shape_cast %parallel_loop3A_149#5 : vector<16xf32> to vector<16xf32>
      tpu.vector_store %arg9[%swap3A_170], %swap3A_173 {strides = array<i32>} : memref<256xf32, #tpu.memory_space<vmem>>, vector<16xf32>,
      %swap3A_174 = arith.constant 96 : index
      %swap3A_175 = tpu.vector_load %arg9[%swap3A_174] {strides = array<i32>} : memref<256xf32, #tpu.memory_space<vmem>>, vector<16xf32>,
      %swap3A_176 = vector.shape_cast %swap3A_175 : vector<16xf32> to vector<16xf32>
      %swap3A_177 = vector.shape_cast %parallel_loop3A_149#6 : vector<16xf32> to vector<16xf32>
      tpu.vector_store %arg9[%swap3A_174], %swap3A_177 {strides = array<i32>} : memref<256xf32, #tpu.memory_space<vmem>>, vector<16xf32>,
      %swap3A_178 = arith.constant 112 : index
      %swap3A_179 = tpu.vector_load %arg9[%swap3A_178] {strides = array<i32>} : memref<256xf32, #tpu.memory_space<vmem>>, vector<16xf32>,
      %swap3A_180 = vector.shape_cast %swap3A_179 : vector<16xf32> to vector<16xf32>
      %swap3A_181 = vector.shape_cast %parallel_loop3A_149#7 : vector<16xf32> to vector<16xf32>
      tpu.vector_store %arg9[%swap3A_178], %swap3A_181 {strides = array<i32>} : memref<256xf32, #tpu.memory_space<vmem>>, vector<16xf32>,
      %parallel_loop3A_182 = arith.constant 0 : i32
      %parallel_loop3A_183 = arith.constant 49 : i32
      %parallel_loop3A_184 = arith.constant 1 : i32
      %parallel_loop3A_185:8 = scf.for %parallel_loop3A_225 = %parallel_loop3A_182 to %parallel_loop3A_183 step %parallel_loop3A_184 iter_args(%parallel_loop3A_226 = %get3A_9, %parallel_loop3A_227 = %get3A_9, %parallel_loop3A_228 = %get3A_9, %parallel_loop3A_229 = %get3A_9, %parallel_loop3A_230 = %get3A_9, %parallel_loop3A_231 = %get3A_9, %parallel_loop3A_232 = %get3A_9, %parallel_loop3A_233 = %get3A_9) -> (vector<16xf32>, vector<16xf32>, vector<16xf32>, vector<16xf32>, vector<16xf32>, vector<16xf32>, vector<16xf32>, vector<16xf32>)  : i32 {
        %parallel_loop3A_234 = arith.constant 16 : i32
        %parallel_loop3A_235 = arith.muli %parallel_loop3A_225, %parallel_loop3A_234 : i32
        %parallel_loop3A_236 = arith.index_cast %parallel_loop3A_235 : i32 to index
        %parallel_loop3A_237 = tpu.vector_load %arg10[%parallel_loop3A_236] {strides = array<i32>} : memref<784xf32, #tpu.memory_space<vmem>>, vector<16xf32>,
        %parallel_loop3A_238 = vector.shape_cast %parallel_loop3A_237 : vector<16xf32> to vector<16xf32>
        %parallel_loop3A_239 = arith.constant 8 : i32
        %parallel_loop3A_240 = arith.index_cast %parallel_loop3A_239 : i32 to index
        %parallel_loop3A_241 = arith.index_cast %parallel_loop3A_235 : i32 to index
        %parallel_loop3A_242 = tpu.vector_load %arg7[%parallel_loop3A_240, %parallel_loop3A_241] {strides = array<i32>} : memref<16x784xf32, #tpu.memory_space<vmem>>, vector<1x16xf32>,
        %parallel_loop3A_243 = vector.shape_cast %parallel_loop3A_242 : vector<1x16xf32> to vector<16xf32>
        %parallel_loop3A_244 = arith.mulf %parallel_loop3A_243, %parallel_loop3A_238 : vector<16xf32>
        %parallel_loop3A_245 = arith.addf %parallel_loop3A_226, %parallel_loop3A_244 : vector<16xf32>
        %parallel_loop3A_246 = arith.constant 9 : i32
        %parallel_loop3A_247 = arith.index_cast %parallel_loop3A_246 : i32 to index
        %parallel_loop3A_248 = arith.index_cast %parallel_loop3A_235 : i32 to index
        %parallel_loop3A_249 = tpu.vector_load %arg7[%parallel_loop3A_247, %parallel_loop3A_248] {strides = array<i32>} : memref<16x784xf32, #tpu.memory_space<vmem>>, vector<1x16xf32>,
        %parallel_loop3A_250 = vector.shape_cast %parallel_loop3A_249 : vector<1x16xf32> to vector<16xf32>
        %parallel_loop3A_251 = arith.mulf %parallel_loop3A_250, %parallel_loop3A_238 : vector<16xf32>
        %parallel_loop3A_252 = arith.addf %parallel_loop3A_227, %parallel_loop3A_251 : vector<16xf32>
        %parallel_loop3A_253 = arith.constant 10 : i32
        %parallel_loop3A_254 = arith.index_cast %parallel_loop3A_253 : i32 to index
        %parallel_loop3A_255 = arith.index_cast %parallel_loop3A_235 : i32 to index
        %parallel_loop3A_256 = tpu.vector_load %arg7[%parallel_loop3A_254, %parallel_loop3A_255] {strides = array<i32>} : memref<16x784xf32, #tpu.memory_space<vmem>>, vector<1x16xf32>,
        %parallel_loop3A_257 = vector.shape_cast %parallel_loop3A_256 : vector<1x16xf32> to vector<16xf32>
        %parallel_loop3A_258 = arith.mulf %parallel_loop3A_257, %parallel_loop3A_238 : vector<16xf32>
        %parallel_loop3A_259 = arith.addf %parallel_loop3A_228, %parallel_loop3A_258 : vector<16xf32>
        %parallel_loop3A_260 = arith.constant 11 : i32
        %parallel_loop3A_261 = arith.index_cast %parallel_loop3A_260 : i32 to index
        %parallel_loop3A_262 = arith.index_cast %parallel_loop3A_235 : i32 to index
        %parallel_loop3A_263 = tpu.vector_load %arg7[%parallel_loop3A_261, %parallel_loop3A_262] {strides = array<i32>} : memref<16x784xf32, #tpu.memory_space<vmem>>, vector<1x16xf32>,
        %parallel_loop3A_264 = vector.shape_cast %parallel_loop3A_263 : vector<1x16xf32> to vector<16xf32>
        %parallel_loop3A_265 = arith.mulf %parallel_loop3A_264, %parallel_loop3A_238 : vector<16xf32>
        %parallel_loop3A_266 = arith.addf %parallel_loop3A_229, %parallel_loop3A_265 : vector<16xf32>
        %parallel_loop3A_267 = arith.constant 12 : i32
        %parallel_loop3A_268 = arith.index_cast %parallel_loop3A_267 : i32 to index
        %parallel_loop3A_269 = arith.index_cast %parallel_loop3A_235 : i32 to index
        %parallel_loop3A_270 = tpu.vector_load %arg7[%parallel_loop3A_268, %parallel_loop3A_269] {strides = array<i32>} : memref<16x784xf32, #tpu.memory_space<vmem>>, vector<1x16xf32>,
        %parallel_loop3A_271 = vector.shape_cast %parallel_loop3A_270 : vector<1x16xf32> to vector<16xf32>
        %parallel_loop3A_272 = arith.mulf %parallel_loop3A_271, %parallel_loop3A_238 : vector<16xf32>
        %parallel_loop3A_273 = arith.addf %parallel_loop3A_230, %parallel_loop3A_272 : vector<16xf32>
        %parallel_loop3A_274 = arith.constant 13 : i32
        %parallel_loop3A_275 = arith.index_cast %parallel_loop3A_274 : i32 to index
        %parallel_loop3A_276 = arith.index_cast %parallel_loop3A_235 : i32 to index
        %parallel_loop3A_277 = tpu.vector_load %arg7[%parallel_loop3A_275, %parallel_loop3A_276] {strides = array<i32>} : memref<16x784xf32, #tpu.memory_space<vmem>>, vector<1x16xf32>,
        %parallel_loop3A_278 = vector.shape_cast %parallel_loop3A_277 : vector<1x16xf32> to vector<16xf32>
        %parallel_loop3A_279 = arith.mulf %parallel_loop3A_278, %parallel_loop3A_238 : vector<16xf32>
        %parallel_loop3A_280 = arith.addf %parallel_loop3A_231, %parallel_loop3A_279 : vector<16xf32>
        %parallel_loop3A_281 = arith.constant 14 : i32
        %parallel_loop3A_282 = arith.index_cast %parallel_loop3A_281 : i32 to index
        %parallel_loop3A_283 = arith.index_cast %parallel_loop3A_235 : i32 to index
        %parallel_loop3A_284 = tpu.vector_load %arg7[%parallel_loop3A_282, %parallel_loop3A_283] {strides = array<i32>} : memref<16x784xf32, #tpu.memory_space<vmem>>, vector<1x16xf32>,
        %parallel_loop3A_285 = vector.shape_cast %parallel_loop3A_284 : vector<1x16xf32> to vector<16xf32>
        %parallel_loop3A_286 = arith.mulf %parallel_loop3A_285, %parallel_loop3A_238 : vector<16xf32>
        %parallel_loop3A_287 = arith.addf %parallel_loop3A_232, %parallel_loop3A_286 : vector<16xf32>
        %parallel_loop3A_288 = arith.constant 15 : i32
        %parallel_loop3A_289 = arith.index_cast %parallel_loop3A_288 : i32 to index
        %parallel_loop3A_290 = arith.index_cast %parallel_loop3A_235 : i32 to index
        %parallel_loop3A_291 = tpu.vector_load %arg7[%parallel_loop3A_289, %parallel_loop3A_290] {strides = array<i32>} : memref<16x784xf32, #tpu.memory_space<vmem>>, vector<1x16xf32>,
        %parallel_loop3A_292 = vector.shape_cast %parallel_loop3A_291 : vector<1x16xf32> to vector<16xf32>
        %parallel_loop3A_293 = arith.mulf %parallel_loop3A_292, %parallel_loop3A_238 : vector<16xf32>
        %parallel_loop3A_294 = arith.addf %parallel_loop3A_233, %parallel_loop3A_293 : vector<16xf32>
        scf.yield %parallel_loop3A_245, %parallel_loop3A_252, %parallel_loop3A_259, %parallel_loop3A_266, %parallel_loop3A_273, %parallel_loop3A_280, %parallel_loop3A_287, %parallel_loop3A_294 : vector<16xf32>, vector<16xf32>, vector<16xf32>, vector<16xf32>, vector<16xf32>, vector<16xf32>, vector<16xf32>, vector<16xf32>
      } {sc.loop_unroll_factor = 7 : i64, sc.parallel_access}
      %swap3A_186 = arith.constant 128 : index
      %swap3A_187 = tpu.vector_load %arg9[%swap3A_186] {strides = array<i32>} : memref<256xf32, #tpu.memory_space<vmem>>, vector<16xf32>,
      %swap3A_188 = vector.shape_cast %swap3A_187 : vector<16xf32> to vector<16xf32>
      %swap3A_189 = vector.shape_cast %parallel_loop3A_185#0 : vector<16xf32> to vector<16xf32>
      tpu.vector_store %arg9[%swap3A_186], %swap3A_189 {strides = array<i32>} : memref<256xf32, #tpu.memory_space<vmem>>, vector<16xf32>,
      %swap3A_190 = arith.constant 144 : index
      %swap3A_191 = tpu.vector_load %arg9[%swap3A_190] {strides = array<i32>} : memref<256xf32, #tpu.memory_space<vmem>>, vector<16xf32>,
      %swap3A_192 = vector.shape_cast %swap3A_191 : vector<16xf32> to vector<16xf32>
      %swap3A_193 = vector.shape_cast %parallel_loop3A_185#1 : vector<16xf32> to vector<16xf32>
      tpu.vector_store %arg9[%swap3A_190], %swap3A_193 {strides = array<i32>} : memref<256xf32, #tpu.memory_space<vmem>>, vector<16xf32>,
      %swap3A_194 = arith.constant 160 : index
      %swap3A_195 = tpu.vector_load %arg9[%swap3A_194] {strides = array<i32>} : memref<256xf32, #tpu.memory_space<vmem>>, vector<16xf32>,
      %swap3A_196 = vector.shape_cast %swap3A_195 : vector<16xf32> to vector<16xf32>
      %swap3A_197 = vector.shape_cast %parallel_loop3A_185#2 : vector<16xf32> to vector<16xf32>
      tpu.vector_store %arg9[%swap3A_194], %swap3A_197 {strides = array<i32>} : memref<256xf32, #tpu.memory_space<vmem>>, vector<16xf32>,
      %swap3A_198 = arith.constant 176 : index
      %swap3A_199 = tpu.vector_load %arg9[%swap3A_198] {strides = array<i32>} : memref<256xf32, #tpu.memory_space<vmem>>, vector<16xf32>,
      %swap3A_200 = vector.shape_cast %swap3A_199 : vector<16xf32> to vector<16xf32>
      %swap3A_201 = vector.shape_cast %parallel_loop3A_185#3 : vector<16xf32> to vector<16xf32>
      tpu.vector_store %arg9[%swap3A_198], %swap3A_201 {strides = array<i32>} : memref<256xf32, #tpu.memory_space<vmem>>, vector<16xf32>,
      %swap3A_202 = arith.constant 192 : index
      %swap3A_203 = tpu.vector_load %arg9[%swap3A_202] {strides = array<i32>} : memref<256xf32, #tpu.memory_space<vmem>>, vector<16xf32>,
      %swap3A_204 = vector.shape_cast %swap3A_203 : vector<16xf32> to vector<16xf32>
      %swap3A_205 = vector.shape_cast %parallel_loop3A_185#4 : vector<16xf32> to vector<16xf32>
      tpu.vector_store %arg9[%swap3A_202], %swap3A_205 {strides = array<i32>} : memref<256xf32, #tpu.memory_space<vmem>>, vector<16xf32>,
      %swap3A_206 = arith.constant 208 : index
      %swap3A_207 = tpu.vector_load %arg9[%swap3A_206] {strides = array<i32>} : memref<256xf32, #tpu.memory_space<vmem>>, vector<16xf32>,
      %swap3A_208 = vector.shape_cast %swap3A_207 : vector<16xf32> to vector<16xf32>
      %swap3A_209 = vector.shape_cast %parallel_loop3A_185#5 : vector<16xf32> to vector<16xf32>
      tpu.vector_store %arg9[%swap3A_206], %swap3A_209 {strides = array<i32>} : memref<256xf32, #tpu.memory_space<vmem>>, vector<16xf32>,
      %swap3A_210 = arith.constant 224 : index
      %swap3A_211 = tpu.vector_load %arg9[%swap3A_210] {strides = array<i32>} : memref<256xf32, #tpu.memory_space<vmem>>, vector<16xf32>,
      %swap3A_212 = vector.shape_cast %swap3A_211 : vector<16xf32> to vector<16xf32>
      %swap3A_213 = vector.shape_cast %parallel_loop3A_185#6 : vector<16xf32> to vector<16xf32>
      tpu.vector_store %arg9[%swap3A_210], %swap3A_213 {strides = array<i32>} : memref<256xf32, #tpu.memory_space<vmem>>, vector<16xf32>,
      %swap3A_214 = arith.constant 240 : index
      %swap3A_215 = tpu.vector_load %arg9[%swap3A_214] {strides = array<i32>} : memref<256xf32, #tpu.memory_space<vmem>>, vector<16xf32>,
      %swap3A_216 = vector.shape_cast %swap3A_215 : vector<16xf32> to vector<16xf32>
      %swap3A_217 = vector.shape_cast %parallel_loop3A_185#7 : vector<16xf32> to vector<16xf32>
      tpu.vector_store %arg9[%swap3A_214], %swap3A_217 {strides = array<i32>} : memref<256xf32, #tpu.memory_space<vmem>>, vector<16xf32>,
      %mul3A_218 = arith.constant 16 : i32
      %mul3A_219 = arith.muli %add3A_126, %mul3A_218 : i32
      %add3A_220 = arith.addi %mul3A_2, %mul3A_219 : i32
      %mul3A_221 = arith.constant 16 : i32
      %mul3A_222 = arith.muli %add3A_220, %mul3A_221 : i32
      %dma_start3A_223 = tpu.memref_slice %arg5[%mul3A_222] : memref<81920xf32, #tpu.memory_space<hbm>> -> memref<256xf32, #tpu.memory_space<hbm>>
      %dma_start3A_224 = tpu.memref_slice %arg5[%mul3A_222] : memref<81920xf32, #tpu.memory_space<hbm>> -> memref<256xf32, #tpu.memory_space<hbm>>
      tpu.enqueue_dma source(%arg9 : memref<256xf32, #tpu.memory_space<vmem>>) target(%dma_start3A_224 : memref<256xf32, #tpu.memory_space<hbm>>) target_semaphore(%arg15 : memref<!tpu.dma_semaphore, #tpu.memory_space<semaphore_mem>>)
    }
    %scan3A_14 = arith.constant 5 : i32
    %add3A_15 = arith.constant 128 : i32
    %add3A_16 = arith.addi %mul3A_2, %add3A_15 : i32
    %mul3A_17 = arith.constant 16 : i32
    %mul3A_18 = arith.muli %add3A_16, %mul3A_17 : i32
    %dma_wait3A = tpu.memref_slice %arg5[%mul3A_18] : memref<81920xf32, #tpu.memory_space<hbm>> -> memref<256xf32, #tpu.memory_space<hbm>>
    %dma_wait3A_19 = tpu.memref_slice %arg5[%mul3A_18] : memref<81920xf32, #tpu.memory_space<hbm>> -> memref<256xf32, #tpu.memory_space<hbm>>
    tpu.wait_dma2 semaphore(%arg14 : memref<!tpu.dma_semaphore, #tpu.memory_space<semaphore_mem>>) src(%arg8 : memref<256xf32, #tpu.memory_space<vmem>>) dst(%dma_wait3A_19 : memref<256xf32, #tpu.memory_space<hbm>>)
    %add3A_20 = arith.constant 144 : i32
    %add3A_21 = arith.addi %mul3A_2, %add3A_20 : i32
    %mul3A_22 = arith.constant 16 : i32
    %mul3A_23 = arith.muli %add3A_21, %mul3A_22 : i32
    %dma_wait3A_24 = tpu.memref_slice %arg5[%mul3A_23] : memref<81920xf32, #tpu.memory_space<hbm>> -> memref<256xf32, #tpu.memory_space<hbm>>
    %dma_wait3A_25 = tpu.memref_slice %arg5[%mul3A_23] : memref<81920xf32, #tpu.memory_space<hbm>> -> memref<256xf32, #tpu.memory_space<hbm>>
    tpu.wait_dma2 semaphore(%arg15 : memref<!tpu.dma_semaphore, #tpu.memory_space<semaphore_mem>>) src(%arg9 : memref<256xf32, #tpu.memory_space<vmem>>) dst(%dma_wait3A_25 : memref<256xf32, #tpu.memory_space<hbm>>)
    return
  }
}

module attributes {stable_mosaic.version = 14 : i64} {
  func.func @body(%arg0: i32, %arg1: memref<1024x784xf32, #tpu.memory_space<vmem>>, %arg2: memref<1x784xf32, #tpu.memory_space<vmem>>, %arg3: memref<1x1xf32, #tpu.memory_space<vmem>>, %arg4: memref<1024x1xf32, #tpu.memory_space<vmem>>) attributes {dimension_semantics = [#tpu.dimension_semantics<arbitrary>], iteration_bounds = array<i64: 11>, scalar_prefetch = 0 : i64, scratch_operands = 0 : i64, tpu.core_type = #tpu.core_type<tc>, window_params = [{transform_indices = @transform_0, window_bounds = array<i64: 1024, 784>}, {pipeline_mode = #tpu.pipeline_mode<synchronous>, transform_indices = @transform_1, window_bounds = array<i64: 1, 784>}, {pipeline_mode = #tpu.pipeline_mode<synchronous>, transform_indices = @transform_2, window_bounds = array<i64: 1, 1>}, {transform_indices = @transform_3, window_bounds = array<i64: 1024, 1>}]} {
    %get3A = arith.constant 0 : index
    %get3A_0 = arith.constant 0 : index
    %get3A_1 = vector.load %arg1[%get3A, %get3A_0] : memref<1024x784xf32, #tpu.memory_space<vmem>>, vector<1024x784xf32>
    %get3A_2 = arith.constant 0 : index
    %get3A_3 = arith.constant 0 : index
    %get3A_4 = vector.load %arg2[%get3A_2, %get3A_3] : memref<1x784xf32, #tpu.memory_space<vmem>>, vector<1x784xf32>
    %mul3A = vector.broadcast %get3A_4 : vector<1x784xf32> to vector<1024x784xf32>
    %mul3A_5 = arith.mulf %get3A_1, %mul3A : vector<1024x784xf32>
    %reduce_sum3A = arith.constant dense<0.000000e+00> : vector<1024xf32>
    %reduce_sum3A_6 = vector.multi_reduction <add>, %mul3A_5, %reduce_sum3A [1] : vector<1024x784xf32> to vector<1024xf32>
    %broadcast_in_dim3A = vector.shape_cast %reduce_sum3A_6 : vector<1024xf32> to vector<1024x1xf32>
    %get3A_7 = arith.constant 0 : index
    %get3A_8 = arith.constant 0 : index
    %get3A_9 = vector.load %arg3[%get3A_7, %get3A_8] : memref<1x1xf32, #tpu.memory_space<vmem>>, vector<1x1xf32>
    %add3A = vector.broadcast %get3A_9 : vector<1x1xf32> to vector<1024x1xf32>
    %add3A_10 = arith.addf %broadcast_in_dim3A, %add3A : vector<1024x1xf32>
    %swap3A = arith.constant 0 : index
    %swap3A_11 = arith.constant 0 : index
    %swap3A_12 = vector.load %arg4[%swap3A, %swap3A_11] : memref<1024x1xf32, #tpu.memory_space<vmem>>, vector<1024x1xf32>
    tpu.vector_store %arg4[%swap3A, %swap3A_11], %add3A_10 {strides = array<i32>} : memref<1024x1xf32, #tpu.memory_space<vmem>>, vector<1024x1xf32>,
    return
  }
  func.func @transform_0(%arg0: i32) -> (i32, i32) {
    %add3A = arith.constant 5 : i32
    %add3A_0 = arith.addi %add3A, %arg0 : i32
    %c0_i32 = arith.constant 0 : i32
    %c0_i32_1 = arith.constant 0 : i32
    return %add3A_0, %c0_i32 : i32, i32
  }
  func.func @transform_1(%arg0: i32) -> (i32, i32) {
    %c0_i32 = arith.constant 0 : i32
    %c0_i32_0 = arith.constant 0 : i32
    %c0_i32_1 = arith.constant 0 : i32
    return %c0_i32, %c0_i32_0 : i32, i32
  }
  func.func @transform_2(%arg0: i32) -> (i32, i32) {
    %c0_i32 = arith.constant 0 : i32
    %c0_i32_0 = arith.constant 0 : i32
    %c0_i32_1 = arith.constant 0 : i32
    return %c0_i32, %c0_i32_0 : i32, i32
  }
  func.func @transform_3(%arg0: i32) -> (i32, i32) {
    %c0_i32 = arith.constant 0 : i32
    %c0_i32_0 = arith.constant 0 : i32
    return %arg0, %c0_i32 : i32, i32
  }
}

module attributes {stable_mosaic.version = 14 : i64} {
  func.func @body(%arg0: i32, %arg1: memref<320x128xf32, #tpu.memory_space<vmem>>, %arg2: memref<128x8xf32, #tpu.memory_space<vmem>>, %arg3: memref<320x8xf32, #tpu.memory_space<vmem>>) attributes {dimension_semantics = [#tpu.dimension_semantics<arbitrary>], iteration_bounds = array<i64: 2>, scalar_prefetch = 0 : i64, scratch_operands = 0 : i64, tpu.core_type = #tpu.core_type<tc>, window_params = [{transform_indices = @transform_0, window_bounds = array<i64: 320, 128>}, {pipeline_mode = #tpu.pipeline_mode<synchronous>, transform_indices = @transform_1, window_bounds = array<i64: 128, 8>}, {transform_indices = @transform_2, window_bounds = array<i64: 320, 8>}]} {
    %get3A = arith.constant 0 : index
    %get3A_0 = arith.constant 0 : index
    %get3A_1 = vector.load %arg1[%get3A, %get3A_0] : memref<320x128xf32, #tpu.memory_space<vmem>>, vector<320x128xf32>
    %get3A_2 = arith.constant 0 : index
    %get3A_3 = arith.constant 0 : index
    %get3A_4 = vector.load %arg2[%get3A_2, %get3A_3] : memref<128x8xf32, #tpu.memory_space<vmem>>, vector<128x8xf32>
    %dot_general3A = arith.constant dense<0.000000e+00> : vector<320x8xf32>
    %dot_general3A_5 = tpu.matmul %get3A_1, %get3A_4, %dot_general3A {dimension_numbers = #tpu.dot_dimension_numbers<[1], [0], [0], [1], [0, 0, 1, 1], [], []>, precision = #tpu.contract_precision<fp32>, transpose_lhs_hint = false} : vector<320x128xf32>, vector<128x8xf32>, vector<320x8xf32> -> vector<320x8xf32>
    %swap3A = arith.constant 0 : index
    %swap3A_6 = arith.constant 0 : index
    %swap3A_7 = vector.load %arg3[%swap3A, %swap3A_6] : memref<320x8xf32, #tpu.memory_space<vmem>>, vector<320x8xf32>
    tpu.vector_store %arg3[%swap3A, %swap3A_6], %dot_general3A_5 {strides = array<i32>} : memref<320x8xf32, #tpu.memory_space<vmem>>, vector<320x8xf32>,
    return
  }
  func.func @transform_0(%arg0: i32) -> (i32, i32) {
    %c0_i32 = arith.constant 0 : i32
    %c0_i32_0 = arith.constant 0 : i32
    return %arg0, %c0_i32 : i32, i32
  }
  func.func @transform_1(%arg0: i32) -> (i32, i32) {
    %c0_i32 = arith.constant 0 : i32
    %c0_i32_0 = arith.constant 0 : i32
    %c0_i32_1 = arith.constant 0 : i32
    return %c0_i32, %c0_i32_0 : i32, i32
  }
  func.func @transform_2(%arg0: i32) -> (i32, i32) {
    %c0_i32 = arith.constant 0 : i32
    %c0_i32_0 = arith.constant 0 : i32
    return %arg0, %c0_i32 : i32, i32
  }
}

</mosaic_0001>

<sc_bundles>
// kernel: kernel.5.cloned.1.call-start
scs
__scs_entry_jumppad:
0x0: {  	(pc) =	sbr.rel $0x88, $3  }
0x1: {  	(tag) =	ssettag $0x0;
	lr =	simm.s32 $0x1  }
0x2: {  	[smem:$0x3F9B] =	sst lr;
	_ =	strace $0xD0000000  }
0x3: {  	_ = 	snop  }
0x4: {  	_ = 	snop  }
0x5: {  	_ = 	snop  }
0x6: {  	_ = 	snop  }
0x7: {  	_ = 	snop  }
__scs_overlays_trampoline_lowered:
0x8: {  	[smem:$0x3FAA] =	sst s0  }
0x9: {  	[smem:$0x3FAB] =	sst s1  }
0xa: {  	[smem:$0x3FAC] =	sst s2  }
0xb: {  	[smem:$0x3FAD] =	sst s3  }
0xc: {  	[smem:$0x3FAE] =	sst s4  }
0xd: {  	[smem:$0x3FAF] =	sst s5  }
0xe: {  	[smem:$0x3FB0] =	sst s6  }
0xf: {  	[smem:$0x3FB1] =	sst s7  }
0x10: {  	[smem:$0x3FB2] =	sst s8  }
0x11: {  	[smem:$0x3FB3] =	sst s9;
	s0 =	simm.s32 @!p0 $0x0  }
0x12: {  	s1 =	sld [smem:$0x3F99];
	s0 =	simm.s32 @p0 $0x1  }
0x13: {  	[smem:$0x3FB4] =	sst s0;
	s0 =	simm.s32 @!p1 $0x0  }
0x14: {  	s2 =	sld [smem:$0x3F98];
	s0 =	simm.s32 @p1 $0x1  }
0x15: {  	[smem:$0x3FB5] =	sst s0;
	s0 =	simm.s32 @!p2 $0x0  }
0x16: {  	s3 =	sld [smem:$0x3FDB];
	s0 =	simm.s32 @p2 $0x1  }
0x17: {  	s4 =	simm.s32 $0x1BF5;
	[smem:$0x3FB7] =	sst s0  }
0x18: {  	s0 =	sld [smem:$0x3F9A];
	_ =	swait.ge [sflag:s4], $0x0  }
0x19: {  	s7 =	sld [smem:$0x3F9B]  }
0x1a: {  	s8 =	sadd.s32 $0xFFFFE003, lr  }
0x1b: {  	s9 =	sadd.s32 $0xFFFFFEF7, lr;
	s5 =	simm.s32 $0xFFFFFFFF;
	p2 =	slt.u32 s8, $0xFFFFF086  }
0x1c: {  	p1 =	slt.u32 s9, $0xF7A;
	s5 =	simm.s32 @!p2 $0x0  }
0x1d: {  	s5 =	simm.s32 @p1 $0x1;
	p0 =	seq.s32 s7, s2  }
0x1e: {  	s7 =	smul.u32 @!p0 $0xF7A, s2;
	p2 =	seq.s32 @!p0 s5, $0x0  }
0x1f: {  	s9 =	smul.u32 $0xF7A, s1;
	s8 =	simm.s32 @!p0 $0x1BF5;
	p2 =	por !p2, p0  }
0x20: {  	[sflag:s8] =	ssyncset.s32 @!p0 $0xFFFFF086;
	s6 =	sadd.s32 @!p0 s3, s7;
	s7 =	simm.s32 @!p0 $0x108  }
0x21: {  	s3 =	sadd.s32 s3, s9;
	s6 =	sadd.s32 @!p0 $0x88, s6;
	s7 =	simm.s32 @p2 $0x1082  }
0x22: {  	[simem:s7], [sflag:s8] =	dma.local @!p0 [hbm:s6], $0xF7A  }
0x23: {  	s9 =	sor.u32 $0xD0000000, s2;
	s6 =	simm.s32 $0x108;
	_ =	swait.ge @!p0 [sflag:s8], $0x0  }
0x24: {  	s3 =	sadd.s32 $0x88, s3;
	s6 =	simm.s32 @!p1 $0x1082;
	[sflag:s4] =	ssyncset.s32 $0xFFFFF086  }
0x25: {  	[simem:s6], [sflag:s4] =	dma.local [hbm:s3], $0xF7A  }
0x26: {  	[smem:$0x3F9B] =	sst s1;
	(tag) =	ssettag s2;
	_ =	strace s9  }
0x27: {  	s1 =	sld [smem:$0x3FAB]  }
0x28: {  	s2 =	sld [smem:$0x3FAC]  }
0x29: {  	s4 =	sld [smem:$0x3FAE]  }
0x2a: {  	p0 =	seq.s32 s5, $0x0;
	s5 =	sld [smem:$0x3FAF]  }
0x2b: {  	s6 =	sld [smem:$0x3FB0]  }
0x2c: {  	s7 =	sld [smem:$0x3FB1]  }
0x2d: {  	s3 =	simm.s32 $0x108;
	s8 =	sld [smem:$0x3FB2]  }
0x2e: {  	s3 =	simm.s32 @!p0 $0x1082;
	s9 =	sld [smem:$0x3FB3]  }
0x2f: {  	lr =	sadd.s32 s0, s3;
	s0 =	sld [smem:$0x3FAA]  }
0x30: {  	s3 =	sld [smem:$0x3FAD]  }
0x31: {  	[smem:$0x3FB6] =	sst s10  }
0x32: {  	s10 =	sld [smem:$0x3FB4];
	_ =	sdelay $0x3  }
0x33: {  	p0 =	seq.s32 s10, $0x1;
	s10 =	sld [smem:$0x3FB6];
	_ =	sdelay $0x3  }
0x34: {  	[smem:$0x3FB6] =	sst s10  }
0x35: {  	s10 =	sld [smem:$0x3FB5];
	_ =	sdelay $0x3  }
0x36: {  	p1 =	seq.s32 s10, $0x1;
	s10 =	sld [smem:$0x3FB6];
	_ =	sdelay $0x3  }
0x37: {  	[smem:$0x3FB6] =	sst s10  }
0x38: {  	s10 =	sld [smem:$0x3FB7]  }
0x39: {  	_ = 	snop;
	(pc) =	sbr.ind lr, $3  }
0x3a: {  	_ = 	snop  }
0x3b: {  	_ = 	snop  }
0x3c: {  	p2 =	seq.s32 s10, $0x1;
	s10 =	sld [smem:$0x3FB6]  }
0x3d: {  	_ =	shalt  }
0x3e: {  	_ =	shalt  }
0x3f: {  	_ =	shalt  }
0x40: {  	_ =	shalt  }
0x41: {  	_ =	shalt  }
0x42: {  	_ =	shalt  }
0x43: {  	_ =	shalt  }
0x44: {  	_ =	shalt  }
0x45: {  	_ =	shalt  }
0x46: {  	_ =	shalt  }
0x47: {  	_ =	shalt  }
0x48: {  	_ =	shalt  }
0x49: {  	_ =	shalt  }
0x4a: {  	_ =	shalt  }
0x4b: {  	_ =	shalt  }
0x4c: {  	_ =	shalt  }
0x4d: {  	_ =	shalt  }
0x4e: {  	_ =	shalt  }
0x4f: {  	_ =	shalt  }
0x50: {  	_ =	shalt  }
0x51: {  	_ =	shalt  }
0x52: {  	_ =	shalt  }
0x53: {  	_ =	shalt  }
0x54: {  	_ =	shalt  }
0x55: {  	_ =	shalt  }
0x56: {  	_ =	shalt  }
0x57: {  	_ =	shalt  }
0x58: {  	_ =	shalt  }
0x59: {  	_ =	shalt  }
0x5a: {  	_ =	shalt  }
0x5b: {  	_ =	shalt  }
0x5c: {  	_ =	shalt  }
0x5d: {  	_ =	shalt  }
0x5e: {  	_ =	shalt  }
0x5f: {  	_ =	shalt  }
0x60: {  	_ =	shalt  }
0x61: {  	_ =	shalt  }
0x62: {  	_ =	shalt  }
0x63: {  	_ =	shalt  }
0x64: {  	_ =	shalt  }
0x65: {  	_ =	shalt  }
0x66: {  	_ =	shalt  }
0x67: {  	_ =	shalt  }
0x68: {  	_ =	shalt  }
0x69: {  	_ =	shalt  }
0x6a: {  	_ =	shalt  }
0x6b: {  	_ =	shalt  }
0x6c: {  	_ =	shalt  }
0x6d: {  	_ =	shalt  }
0x6e: {  	_ =	shalt  }
0x6f: {  	_ =	shalt  }
0x70: {  	_ =	shalt  }
0x71: {  	_ =	shalt  }
0x72: {  	_ =	shalt  }
0x73: {  	_ =	shalt  }
0x74: {  	_ =	shalt  }
0x75: {  	_ =	shalt  }
0x76: {  	_ =	shalt  }
0x77: {  	_ =	shalt  }
0x78: {  	_ =	shalt  }
0x79: {  	_ =	shalt  }
0x7a: {  	_ =	shalt  }
0x7b: {  	_ =	shalt  }
0x7c: {  	_ =	shalt  }
0x7d: {  	_ =	shalt  }
0x7e: {  	_ =	shalt  }
0x7f: {  	_ =	shalt  }
0x80: {  	_ =	shalt  }
0x81: {  	_ =	shalt  }
0x82: {  	_ =	shalt  }
0x83: {  	_ =	shalt  }
0x84: {  	_ =	shalt  }
0x85: {  	_ =	shalt  }
0x86: {  	_ =	shalt  }
0x87: {  	_ =	shalt  }
.Lfunc_end0:
.L_simem_size_0:
called_computation_lowered:
.L_overlay_start_0:
0x88: {  	s2 =	sld [smem:$0x3FD9]  }
0x89: {  	s3 =	sld [smem:$0x3FFE];
	_ =	sdelay $0x1  }
0x8a: {  	s1 =	srdreg.scid  }
0x8b: {  	s0 =	sand.u32 $0x1, s1  }
0x8c: {  	s17 =	sshll.u32 s0, $0xA;
	s2 =	sadd.s32 s3, s2  }
0x8d: {  	s2 =	sadd.s32 s2, s17  }
0x8e: {  	[smem:$0x3FC2] =	sst s2  }
0x8f: {  	_ = 	snop  }
0x90: {  	s2 =	sld [smem:$0x3FD0];
	(tm) =	ssettm $0x1  }
0x91: {  	s18 =	sld [smem:$0x3FFB];
	_ =	sdelay $0x3  }
0x92: {  	_ =	strace s18  }
0x93: {  	s3 =	sld [smem:$0x3FFC];
	_ =	sdelay $0x3  }
0x94: {  	_ =	strace s3  }
0x95: {  	s3 =	sld [smem:$0x3FFD];
	_ =	sdelay $0x3  }
0x96: {  	_ =	strace s3  }
0x97: {  	_ =	strace $0x8FFFFFFF  }
0x98: {  	s19 =	sld [smem:$0x3FDB];
	_ =	sdelay $0x1  }
0x99: {  	s4 =	simm.s32 $_scs_section_size  }
0x9a: {  	s5 =	simm.s32 $_size__tile_overlayer_lowered;
	s6 =	simm.s32 $_tile_overlayer_lowered  }
0x9b: {  	s22 =	simm.s32 $0x1BFF;
	s21 =	sshll.u32 s6, $0x1;
	s3 =	sadd.s32 s4, s19  }
0x9c: {  	s7 =	simm.s32 $0x0;
	s20 =	sshll.u32 s5, $0x1;
	s5 =	sadd.s32 s21, s3  }
0x9d: {  	[timem:s7], [sflag:s22] =	dma.local [hbm:s5], s20  }
0x9e: {  	_ =	swait.ge [sflag:s22], s20  }
0x9f: {  	s4 =	ssub.s32 $0x0, s20;
	[sflag:s22] =	ssyncset.done $0x0  }
0xa0: {  	[sflag:s22] =	ssyncadd.s32 s4;
	_ =	sdelay $0x1  }
0xa1: {  	s23 =	simm.s32 $0x1B8B  }
0xa2: {  	_ =	swait.ge [sflag:s23], $0x1  }
0xa3: {  	[sflag:s23] =	ssyncset.done $0x0  }
0xa4: {  	s25 =	simm.s32 $0x1B8E;
	s24 =	sld [smem:$0x3FFE];
	[sflag:s23] =	ssyncadd.s32 $0xFFFFFFFF  }
0xa5: {  	s26 =	simm.s32 $execute0_lowered;
	[smem:$0x3FD2] =	sst s25  }
0xa6: {  	s5 =	sshll.u32 s26, $0x1;
	_ =	strace $0x80000046;
	[dreg:$0x1] =	wrdreg $0xFFFFFFFF  }
0xa7: {  	s28 =	simm.s32 $_size_execute0_lowered;
	s3 =	sadd.s32 s3, s5;
	[dreg:$0x0] =	wrdreg $0x0  }
0xa8: {  	s5 =	sshll.u32 s28, $0x1;
	[dreg:$0x2] =	wrdreg s3  }
0xa9: {  	[dreg:$0x3] =	wrdreg s5  }
0xaa: {  	[dreg:$0x4] =	wrdreg $0xC0  }
0xab: {  	_ =	task [dreg:s7], $0x5FFFF  }
0xac: {  	[dreg:$0x1] =	wrdreg $0xFFFFFFFF  }
0xad: {  	[dreg:$0x0] =	wrdreg $0x60  }
0xae: {  	[dreg:$0x2] =	wrdreg s24  }
0xaf: {  	[dreg:$0x3] =	wrdreg s2  }
0xb0: {  	[dreg:$0x4] =	wrdreg $0x9  }
0xb1: {  	_ =	task.clear_ibuf [dreg:s7], $0x5FFFF;
	_ =	strace $0x90000046  }
0xb2: {  	s29 =	simm.s32 $0x9;
	_ =	strace $0x80000048  }
0xb3: {  	_ =	swait.ge [sflag:s29], $0x1  }
0xb4: {  	[sflag:s29] =	ssyncadd.s32 $0xFFFFFFFF  }
0xb5: {  	_ =	strace $0x90000048  }
0xb6: {  	_ =	sfence  }
0xb7: {  	s30 =	sld [smem:$0x0];
	_ =	sdelay $0x2  }
0xb8: {  	s31 =	sshll.u32 s1, $0xD;
	s1 =	sshrl.u32 s1, $0x2  }
0xb9: {  	s3 =	sand.u32 $0x4000, s31;
	s1 =	sadd.s32 s1, s30  }
0xba: {  	s0 =	sor.u32 s3, s0;
	s1 =	sshll.u32 s1, $0x11  }
0xbb: {  	s0 =	sor.u32 s1, s0  }
0xbc: {  	s0 =	sadd.s32 $0x8F2B, s0  }
0xbd: {  	[sflag:s0] =	ssyncadd.remote.s32 $0x1  }
0xbe: {  	_ =	sfence.sel $0xFFFF  }
0xbf: {  	[dreg:$0x0] =	wrdreg $0xFFFFFFFF;
	(pc) =	sbr.abs _section_cstart, $3  }
0xc0: {  	[dreg:$0x1] =	wrdreg $0xFFFFFFFF  }
0xc1: {  	_ =	task.clear_ibuf [dreg:s7], $0x2FFFF;
	_ =	strace $0x9FFFFFFF  }
0xc2: {  	(tm) =	ssettm $0x7FFFFFFF  }
0xc3: {  	_ =	shalt  }
tec
execute0_lowered:
.L_overlay_start_1:
0x0: {  	(tag) =	ssettag $0x1  }
0x1: {  	s1 =	srdreg.scid;
	s2 =	rddreg [dreg:$0x0]  }
0x2: {  	s0 =	stileid.u32;
	s3 =	rddreg [dreg:$0x1]  }
0x3: {  	s5 =	simm.s32 $0x0;
	s13 =	simm.s32 $0x7580;
	s14 =	simm.s32 $0x5  }
0x4: {  	s15 =	simm.s32 $0x3800;
	s16 =	simm.s32 $0x1;
	s17 =	simm.s32 $0x7000  }
0x5: {  	s18 =	simm.s32 $0x2;
	s6 =	sand.u32 $0x1, s1;
	s30 =	sshll.u32 s0, $0x1  }
0x6: {  	s19 =	simm.s32 $0x4;
	s20 =	simm.s32 $0x7100;
	s9 =	sor.u32 s6, s30  }
0x7: {  	s21 =	simm.s32 $0x3;
	s1 =	rddreg [dreg:$0x2];
	s4 =	smul.u32 $0xA0, s9  }
0x8: {  	s22 =	simm.s32 $0x0;
	[smem:$0x7FF] =	sst s5;
	s7 =	sadd.s32 $0x1C0400, s2  }
0x9: {  	s8 =	ssub.s32 $0x2, s6;
	_ =	strace $0x80000047;
	s31 =	sshrl.u32 s4, $0x3  }
0xa: {  	s6 =	sadd.s32 $0x1C0200, s2;
	s10 =	sshrl.u32 s8, $0x1;
	s11 =	smul.u32 $0x380, s31  }
0xb: {  	s9 =	smul.u32 $0xA00, s9;
	s12 =	ssub.s32 s8, s10;
	s10 =	sadd.s32 $0x20, s4  }
0xc: {  	s8 =	sadd.s32 s2, s11;
	s11 =	smax.u32 s12, $0x1;
	s12 =	simm.s32 $0x7200  }
.LBB2_1:
0xd: {  	[tilespmem:s12], [sflag:$0x5] =	stream.linear.gather [hbm4b:s3+s5], $0x380, $0x38;
	[tilespmem:$0x7600] =	vst v63  }
0xe: {  	_ = 	snop  }
0xf: {  	[tilespmem:s13], [sflag:$0x5] =	stream.linear.gather [hbm4b:s6+s5], $0x80, $0x38;
	[tilespmem:$0x7600] =	vst v63  }
0x10: {  	_ = 	snop  }
0x11: {  	[tilespmem:s5], [sflag:$0x1] =	stream.linear.gather [hbm4b:s8+s5], $0x3800, $0x38;
	[tilespmem:$0x7600] =	vst v63  }
0x12: {  	_ =	swait.ge [sflag:s14], $0x380  }
0x13: {  	[sflag:s14] =	ssyncset.done $0x0  }
0x14: {  	[sflag:s14] =	ssyncadd.s32 $0xFFFFFC80  }
0x15: {  	_ =	swait.ge [sflag:s14], $0x80  }
0x16: {  	[sflag:s14] =	ssyncset.done $0x0  }
0x17: {  	[sflag:s14] =	ssyncadd.s32 $0xFFFFFF80  }
0x18: {  	s23 =	simm.s32 $0x0;
	v0 =	vld [tilespmem:$0x7580]  }
.LBB2_2:
0x19: {  	s24 =	sshllo.u32 s23, $0x1  }
0x1a: {  	s25 =	sshll.u32 s24, $0x4  }
0x1b: {  	s25 =	sadd.s32 s4, s25  }
0x1c: {  	s25 =	sshrl.u32 s25, $0x3  }
0x1d: {  	s25 =	smul.u32 $0x380, s25;
	_ =	sdelay $0x1  }
0x1e: {  	s25 =	sadd.s32 s2, s25  }
0x1f: {  	[tilespmem:s15], [sflag:$0x2] =	stream.linear.gather [hbm4b:s25+s5], $0x3800, $0x38;
	[tilespmem:$0x7600] =	vst v63  }
0x20: {  	_ =	swait.ge [sflag:s16], $0x3800  }
0x21: {  	p0 =	seq.s32 s23, $0x0;
	[sflag:s16] =	ssyncset.done $0x0  }
0x22: {  	s25 =	simm.s32 @!p0 $0x3;
	[sflag:s16] =	ssyncadd.s32 $0xFFFFC800  }
0x23: {  	_ =	swait.ge @!p0 [sflag:s25], $0x100  }
0x24: {  	s26 =	simm.s32 $0x0;
	[sflag:s25] =	ssyncset.done @!p0 $0x0  }
0x25: {  	s31 =	simm.s32 $0x7200;
	s28 =	sor.u32 s26, s26;
	[sflag:s25] =	ssyncadd.s32 @!p0 $0xFFFFFF00  }
0x26: {  	s29 =	sand.u32 $0x70, s26;
	s26 =	sand.u32 $0x1C00, s26;
	v2 =	vld [tilespmem:s31+$0x0];
	s31 =	sor.u32 $0x380, s28  }
0x27: {  	s28 =	sor.u32 s29, s26;
	v1 =	vld [tilespmem:s31+$0x0]  }
0x28: {  	v3 =	vld [tilespmem:s28+$0x0]  }
0x29: {  	v4 =	vld [tilespmem:s28+$0x80]  }
0x2a: {  	v13 =	vld [tilespmem:s28+$0x100]  }
0x2b: {  	v12 =	vld [tilespmem:s28+$0x180]  }
0x2c: {  	v11 =	vld [tilespmem:s28+$0x200];
	v1 =	vmul.f32 v1, v2  }
0x2d: {  	v14 =	vmovc v0;
	v10 =	vmovc v0;
	v8 =	vmov v0;
	v7 =	vmov v0;
	s25 =	simm.s32 $0x80;
	s26 =	simm.s32 $0x20;
	s31 =	simm.s32 $0x10;
	v5 =	vld [tilespmem:s28+$0x280];
	v15 =	vmul.f32 v3, v2  }
0x2e: {  	v6 =	vmovc v0;
	v9 =	vld [tilespmem:s28+$0x300];
	s28 =	simm.s32 $0x7210;
	s30 =	sand.u32 $0x70, s31;
	s29 =	sor.u32 s25, s31;
	v16 =	vmul.f32 v4, v2;
	v4 =	vmovc v0;
	v3 =	vmov v0;
	v1 =	vadd.f32 v1, v0  }
.LBB2_3:
0x2f: {  	p1 =	sne.s32 s26, $0x300;
	v17 =	vld [tilespmem:s28+$0x0];
	s31 =	sand.u32 $0x1C00, s25;
	s29 =	sor.u32 $0x380, s29;
	v14 =	vadd.f32 v15, v14;
	v13 =	vmul.f32 v13, v2  }
0x30: {  	s31 =	sor.u32 s30, s31;
	v15 =	vld [tilespmem:s29+$0x0];
	v10 =	vadd.f32 v16, v10;
	v12 =	vmul.f32 v12, v2  }
0x31: {  	v16 =	vld [tilespmem:s31+$0x0];
	v8 =	vadd.f32 v13, v8;
	v11 =	vmul.f32 v11, v2  }
0x32: {  	v18 =	vld [tilespmem:s31+$0x80];
	v7 =	vadd.f32 v12, v7;
	v5 =	vmul.f32 v5, v2  }
.Ltmp0:
0x33: {  	v13 =	vld [tilespmem:s31+$0x100];
	v6 =	vadd.f32 v11, v6;
	v9 =	vmul.f32 v9, v2;
	(pc) =	sbr.rel @p1 .LBB2_3-.Ltmp0, $4  }
0x34: {  	v12 =	vld [tilespmem:s31+$0x180];
	v4 =	vadd.f32 v5, v4;
	v2 =	vmov v17  }
0x35: {  	v11 =	vld [tilespmem:s31+$0x200];
	v17 =	vmul.f32 v15, v2;
	v3 =	vadd.f32 v9, v3  }
0x36: {  	s25 =	sadd.s32 $0x80, s25;
	s30 =	sand.u32 $0x70, s26;
	v15 =	vmul.f32 v16, v2;
	v5 =	vld [tilespmem:s31+$0x280]  }
0x37: {  	s28 =	sadd.s32 $0x10, s28;
	s29 =	sor.u32 s25, s26;
	s26 =	sadd.s32 $0x10, s26;
	v16 =	vmul.f32 v18, v2;
	v9 =	vld [tilespmem:s31+$0x300];
	v1 =	vadd.f32 v17, v1  }
0x38: {  	s25 =	sand.u32 $0x1C00, s25  }
0x39: {  	v17 =	vld [tilespmem:s28+$0x0];
	s25 =	sor.u32 s30, s25  }
0x3a: {  	v18 =	vld [tilespmem:s25+$0x0]  }
0x3b: {  	v19 =	vld [tilespmem:s25+$0x80]  }
0x3c: {  	v14 =	vadd.f32 v15, v14;
	v15 =	vld [tilespmem:s25+$0x200]  }
0x3d: {  	v13 =	vmul.f32 v13, v2;
	v12 =	vmul.f32 v12, v2;
	v20 =	vld [tilespmem:s25+$0x100]  }
0x3e: {  	v10 =	vadd.f32 v16, v10;
	v21 =	vld [tilespmem:s25+$0x180];
	v11 =	vmul.f32 v11, v2  }
0x3f: {  	v8 =	vadd.f32 v13, v8;
	v13 =	vld [tilespmem:s25+$0x300];
	v7 =	vadd.f32 v12, v7;
	v16 =	vmul.f32 v18, v17  }
0x40: {  	s26 =	sor.u32 $0x380, s29;
	v5 =	vmul.f32 v5, v2;
	v6 =	vadd.f32 v11, v6;
	v18 =	vld [tilespmem:s25+$0x280];
	v12 =	vmul.f32 v19, v17  }
0x41: {  	v2 =	vmul.f32 v9, v2;
	v9 =	vmul.f32 v15, v17;
	v11 =	vadd.f32 v16, v14;
	v14 =	vld [tilespmem:s26+$0x0]  }
0x42: {  	v16 =	vmul.f32 v20, v17;
	v10 =	vadd.f32 v12, v10  }
0x43: {  	v2 =	vadd.f32 v2, v3;
	v12 =	vmul.f32 v21, v17;
	v3 =	vadd.f32 v9, v6;
	[tilespmem:$0x7000] =	vst v11  }
0x44: {  	v6 =	vmul.f32 v13, v17;
	v8 =	vadd.f32 v16, v8;
	[tilespmem:$0x7010] =	vst v10  }
0x45: {  	v4 =	vadd.f32 v5, v4;
	v5 =	vadd.f32 v12, v7;
	[tilespmem:$0x7040] =	vst v3;
	v7 =	vmul.f32 v18, v17  }
0x46: {  	v2 =	vadd.f32 v6, v2;
	[tilespmem:$0x7020] =	vst v8;
	v8 =	vmul.f32 v14, v17  }
0x47: {  	[tilespmem:$0x7030] =	vst v5;
	v4 =	vadd.f32 v7, v4  }
0x48: {  	[tilespmem:$0x7060] =	vst v2;
	v1 =	vadd.f32 v8, v1  }
0x49: {  	s26 =	simm.s32 $0x0;
	[tilespmem:$0x7050] =	vst v4  }
0x4a: {  	s31 =	simm.s32 $0x7200;
	s28 =	sand.u32 $0x70, s26;
	s25 =	sand.u32 $0x1C00, s26;
	[tilespmem:$0x7070] =	vst v1  }
0x4b: {  	v2 =	vld [tilespmem:s31+$0x0];
	s31 =	sor.u32 s28, s25  }
0x4c: {  	v1 =	vld [tilespmem:s31+$0x1F80]  }
0x4d: {  	v3 =	vld [tilespmem:s31+$0x1C00]  }
0x4e: {  	v4 =	vld [tilespmem:s31+$0x1C80]  }
0x4f: {  	v11 =	vld [tilespmem:s31+$0x1D00]  }
0x50: {  	v12 =	vld [tilespmem:s31+$0x1D80]  }
0x51: {  	s26 =	simm.s32 $0x80;
	v9 =	vld [tilespmem:s31+$0x1E00];
	v1 =	vmul.f32 v1, v2  }
0x52: {  	s30 =	sand.u32 $0x1C00, s26;
	v10 =	vmovc v0;
	v6 =	vmovc v0;
	v14 =	vmov v0;
	v7 =	vmov v0;
	s28 =	simm.s32 $0x10;
	v5 =	vld [tilespmem:s31+$0x1E80];
	v15 =	vmul.f32 v3, v2  }
0x53: {  	v8 =	vmovc v0;
	s25 =	simm.s32 $0x7210;
	s29 =	sand.u32 $0x70, s28;
	s28 =	simm.s32 $0x20;
	v13 =	vld [tilespmem:s31+$0x1F00];
	v16 =	vmul.f32 v4, v2;
	v4 =	vmovc v0;
	v3 =	vmov v0;
	v1 =	vadd.f32 v1, v0  }
.LBB2_5:
0x54: {  	p1 =	sne.s32 s28, $0x300;
	v17 =	vld [tilespmem:s25+$0x0];
	s31 =	sor.u32 s29, s30;
	v14 =	vadd.f32 v15, v14;
	v11 =	vmul.f32 v11, v2  }
0x55: {  	v15 =	vld [tilespmem:s31+$0x1F80];
	v10 =	vadd.f32 v16, v10;
	v12 =	vmul.f32 v12, v2  }
0x56: {  	v16 =	vld [tilespmem:s31+$0x1C00];
	v7 =	vadd.f32 v11, v7;
	v9 =	vmul.f32 v9, v2  }
0x57: {  	v18 =	vld [tilespmem:s31+$0x1C80];
	v8 =	vadd.f32 v12, v8;
	v5 =	vmul.f32 v5, v2  }
.Ltmp1:
0x58: {  	v11 =	vld [tilespmem:s31+$0x1D00];
	v6 =	vadd.f32 v9, v6;
	v13 =	vmul.f32 v13, v2;
	(pc) =	sbr.rel @p1 .LBB2_5-.Ltmp1, $4  }
0x59: {  	v12 =	vld [tilespmem:s31+$0x1D80];
	v4 =	vadd.f32 v5, v4;
	v2 =	vmov v17  }
0x5a: {  	v9 =	vld [tilespmem:s31+$0x1E00];
	v17 =	vmul.f32 v15, v2;
	v3 =	vadd.f32 v13, v3  }
0x5b: {  	s26 =	sadd.s32 $0x80, s26;
	s25 =	sadd.s32 $0x10, s25;
	v15 =	vmul.f32 v16, v2;
	v5 =	vld [tilespmem:s31+$0x1E80]  }
0x5c: {  	s29 =	sand.u32 $0x70, s28;
	s28 =	sadd.s32 $0x10, s28;
	s30 =	sand.u32 $0x1C00, s26;
	v16 =	vmul.f32 v18, v2;
	v13 =	vld [tilespmem:s31+$0x1F00];
	v1 =	vadd.f32 v17, v1  }
0x5d: {  	v17 =	vld [tilespmem:s25+$0x0];
	s30 =	sor.u32 s29, s30  }
0x5e: {  	v18 =	vld [tilespmem:s30+$0x1C00]  }
0x5f: {  	v19 =	vld [tilespmem:s30+$0x1C80]  }
0x60: {  	v20 =	vld [tilespmem:s30+$0x1D00]  }
0x61: {  	v21 =	vld [tilespmem:s30+$0x1D80]  }
0x62: {  	v14 =	vadd.f32 v15, v14;
	v11 =	vmul.f32 v11, v2;
	v12 =	vmul.f32 v12, v2;
	v50 =	vld [tilespmem:s30+$0x1E00]  }
0x63: {  	v10 =	vadd.f32 v16, v10;
	v52 =	vld [tilespmem:s30+$0x1E80];
	v9 =	vmul.f32 v9, v2;
	v51 =	vmul.f32 v18, v17  }
0x64: {  	v54 =	vld [tilespmem:s30+$0x1F00];
	v7 =	vadd.f32 v11, v7;
	v8 =	vadd.f32 v12, v8;
	v53 =	vmul.f32 v19, v17  }
0x65: {  	v56 =	vld [tilespmem:s30+$0x1F80];
	v5 =	vmul.f32 v5, v2;
	v57 =	vmul.f32 v20, v17;
	v55 =	vadd.f32 v51, v14  }
0x66: {  	v6 =	vadd.f32 v9, v6;
	v58 =	vmul.f32 v21, v17;
	v10 =	vadd.f32 v53, v10  }
0x67: {  	v2 =	vmul.f32 v13, v2;
	v59 =	vmul.f32 v50, v17;
	v7 =	vadd.f32 v57, v7;
	[tilespmem:$0x7080] =	vst v55  }
0x68: {  	v4 =	vadd.f32 v5, v4;
	v61 =	vmul.f32 v52, v17;
	v60 =	vadd.f32 v58, v8;
	[tilespmem:$0x7090] =	vst v10  }
0x69: {  	v2 =	vadd.f32 v2, v3;
	v62 =	vmul.f32 v54, v17;
	v3 =	vadd.f32 v59, v6;
	[tilespmem:$0x70A0] =	vst v7  }
0x6a: {  	p1 =	sne.s32 s23, $0x4;
	v63 =	vmul.f32 v56, v17;
	v4 =	vadd.f32 v61, v4;
	[tilespmem:$0x70B0] =	vst v60  }
.Ltmp2:
0x6b: {  	s31 =	sshll.u32 s23, $0x9;
	v2 =	vadd.f32 v62, v2;
	[tilespmem:$0x70C0] =	vst v3;
	(pc) =	sbr.rel @p1 .LBB2_8-.Ltmp2, $4  }
0x6c: {  	s25 =	sadd.s32 s9, s31;
	v1 =	vadd.f32 v63, v1;
	[tilespmem:$0x70D0] =	vst v4  }
0x6d: {  	s25 =	sshrl.u32 s25, $0x3;
	[tilespmem:$0x70E0] =	vst v2  }
0x6e: {  	s25 =	sadd.s32 s7, s25;
	[tilespmem:$0x70F0] =	vst v1  }
0x6f: {  	[hbm4b:s25+s5] =	stream.linear.scatter [tilespmem:s17], [sflag:$0x3], $0x100, $0x38;
	[tilespmem:$0x7600] =	vst v63  }
.Ltmp3:
0x70: {  	(pc) =	sbr.rel .LBB2_9-.Ltmp3, $4  }
0x71: {  	_ = 	snop  }
0x72: {  	_ =	swait.ge [sflag:s18], $0x3800  }
0x73: {  	[sflag:s18] =	ssyncset.done $0x0  }
0x74: {  	[sflag:s18] =	ssyncadd.s32 $0xFFFFC800  }
.LBB2_8:
0x75: {  	s25 =	sshll.u32 s23, $0x5  }
0x76: {  	s25 =	sadd.s32 s25, s10  }
0x77: {  	s25 =	sshrl.u32 s25, $0x3  }
0x78: {  	s25 =	smul.u32 $0x380, s25;
	_ =	sdelay $0x1  }
.Ltmp4:
0x79: {  	s25 =	sadd.s32 s2, s25;
	(pc) =	sbr.rel @p0 .LBB2_10-.Ltmp4, $4  }
0x7a: {  	[tilespmem:s5], [sflag:$0x1] =	stream.linear.gather [hbm4b:s25+s5], $0x3800, $0x38;
	[tilespmem:$0x7600] =	vst v63  }
0x7b: {  	_ =	swait.ge [sflag:s18], $0x3800  }
0x7c: {  	[sflag:s18] =	ssyncset.done $0x0  }
0x7d: {  	[sflag:s18] =	ssyncadd.s32 $0xFFFFC800  }
.LBB2_9:
0x7e: {  	_ =	swait.ge [sflag:s19], $0x100  }
0x7f: {  	[sflag:s19] =	ssyncset.done $0x0  }
0x80: {  	[sflag:s19] =	ssyncadd.s32 $0xFFFFFF00  }
.LBB2_10:
0x81: {  	s25 =	simm.s32 $0x0  }
0x82: {  	s26 =	simm.s32 $0x7200;
	s28 =	sor.u32 s25, s25  }
0x83: {  	s29 =	sand.u32 $0x70, s25;
	v2 =	vld [tilespmem:s26+$0x0];
	s25 =	sand.u32 $0x1C00, s25;
	s31 =	sor.u32 $0x380, s28  }
0x84: {  	s28 =	sor.u32 s29, s25;
	v1 =	vld [tilespmem:s31+$0x3800]  }
0x85: {  	v3 =	vld [tilespmem:s28+$0x3800]  }
0x86: {  	v4 =	vld [tilespmem:s28+$0x3880]  }
0x87: {  	v13 =	vld [tilespmem:s28+$0x3900]  }
0x88: {  	v12 =	vld [tilespmem:s28+$0x3980]  }
0x89: {  	v11 =	vld [tilespmem:s28+$0x3A00];
	v1 =	vmul.f32 v1, v2  }
0x8a: {  	v14 =	vmovc v0;
	v10 =	vmovc v0;
	v8 =	vmov v0;
	v7 =	vmov v0;
	s26 =	simm.s32 $0x20;
	s25 =	simm.s32 $0x80;
	s31 =	simm.s32 $0x10;
	v5 =	vld [tilespmem:s28+$0x3A80];
	v15 =	vmul.f32 v3, v2  }
0x8b: {  	v6 =	vmovc v0;
	v9 =	vld [tilespmem:s28+$0x3B00];
	s28 =	simm.s32 $0x7210;
	s30 =	sand.u32 $0x70, s31;
	s29 =	sor.u32 s25, s31;
	v16 =	vmul.f32 v4, v2;
	v4 =	vmovc v0;
	v3 =	vmov v0;
	v1 =	vadd.f32 v1, v0  }
.LBB2_11:
0x8c: {  	p0 =	sne.s32 s26, $0x300;
	v17 =	vld [tilespmem:s28+$0x0];
	s31 =	sand.u32 $0x1C00, s25;
	s29 =	sor.u32 $0x380, s29;
	v14 =	vadd.f32 v15, v14;
	v13 =	vmul.f32 v13, v2  }
0x8d: {  	s31 =	sor.u32 s30, s31;
	v15 =	vld [tilespmem:s29+$0x3800];
	v10 =	vadd.f32 v16, v10;
	v12 =	vmul.f32 v12, v2  }
0x8e: {  	v16 =	vld [tilespmem:s31+$0x3800];
	v8 =	vadd.f32 v13, v8;
	v11 =	vmul.f32 v11, v2  }
0x8f: {  	v18 =	vld [tilespmem:s31+$0x3880];
	v7 =	vadd.f32 v12, v7;
	v5 =	vmul.f32 v5, v2  }
.Ltmp5:
0x90: {  	v13 =	vld [tilespmem:s31+$0x3900];
	v6 =	vadd.f32 v11, v6;
	v9 =	vmul.f32 v9, v2;
	(pc) =	sbr.rel @p0 .LBB2_11-.Ltmp5, $4  }
0x91: {  	v12 =	vld [tilespmem:s31+$0x3980];
	v4 =	vadd.f32 v5, v4;
	v2 =	vmov v17  }
0x92: {  	v11 =	vld [tilespmem:s31+$0x3A00];
	v17 =	vmul.f32 v15, v2;
	v3 =	vadd.f32 v9, v3  }
0x93: {  	s25 =	sadd.s32 $0x80, s25;
	s30 =	sand.u32 $0x70, s26;
	v15 =	vmul.f32 v16, v2;
	v5 =	vld [tilespmem:s31+$0x3A80]  }
0x94: {  	s28 =	sadd.s32 $0x10, s28;
	s29 =	sor.u32 s25, s26;
	s26 =	sadd.s32 $0x10, s26;
	v16 =	vmul.f32 v18, v2;
	v9 =	vld [tilespmem:s31+$0x3B00];
	v1 =	vadd.f32 v17, v1  }
0x95: {  	s25 =	sand.u32 $0x1C00, s25  }
0x96: {  	v17 =	vld [tilespmem:s28+$0x0];
	s25 =	sor.u32 s30, s25  }
0x97: {  	v18 =	vld [tilespmem:s25+$0x3800]  }
0x98: {  	v19 =	vld [tilespmem:s25+$0x3880]  }
0x99: {  	v14 =	vadd.f32 v15, v14;
	v15 =	vld [tilespmem:s25+$0x3A00]  }
0x9a: {  	v13 =	vmul.f32 v13, v2;
	v12 =	vmul.f32 v12, v2;
	v20 =	vld [tilespmem:s25+$0x3900]  }
0x9b: {  	v10 =	vadd.f32 v16, v10;
	v21 =	vld [tilespmem:s25+$0x3980];
	v11 =	vmul.f32 v11, v2  }
0x9c: {  	v8 =	vadd.f32 v13, v8;
	v13 =	vld [tilespmem:s25+$0x3B00];
	v7 =	vadd.f32 v12, v7;
	v16 =	vmul.f32 v18, v17  }
0x9d: {  	s26 =	sor.u32 $0x380, s29;
	v5 =	vmul.f32 v5, v2;
	v6 =	vadd.f32 v11, v6;
	v18 =	vld [tilespmem:s25+$0x3A80];
	v12 =	vmul.f32 v19, v17  }
0x9e: {  	v2 =	vmul.f32 v9, v2;
	v9 =	vmul.f32 v15, v17;
	v11 =	vadd.f32 v16, v14;
	v14 =	vld [tilespmem:s26+$0x3800]  }
0x9f: {  	v16 =	vmul.f32 v20, v17;
	v10 =	vadd.f32 v12, v10  }
0xa0: {  	v2 =	vadd.f32 v2, v3;
	v12 =	vmul.f32 v21, v17;
	v3 =	vadd.f32 v9, v6;
	[tilespmem:$0x7100] =	vst v11  }
0xa1: {  	v6 =	vmul.f32 v13, v17;
	v8 =	vadd.f32 v16, v8;
	[tilespmem:$0x7110] =	vst v10  }
0xa2: {  	v4 =	vadd.f32 v5, v4;
	v5 =	vadd.f32 v12, v7;
	[tilespmem:$0x7140] =	vst v3;
	v7 =	vmul.f32 v18, v17  }
0xa3: {  	v2 =	vadd.f32 v6, v2;
	[tilespmem:$0x7120] =	vst v8;
	v8 =	vmul.f32 v14, v17  }
0xa4: {  	[tilespmem:$0x7130] =	vst v5;
	v4 =	vadd.f32 v7, v4  }
0xa5: {  	[tilespmem:$0x7160] =	vst v2;
	v1 =	vadd.f32 v8, v1  }
0xa6: {  	s26 =	simm.s32 $0x0;
	[tilespmem:$0x7150] =	vst v4  }
0xa7: {  	s31 =	simm.s32 $0x7200;
	s28 =	sand.u32 $0x70, s26;
	s25 =	sand.u32 $0x1C00, s26;
	[tilespmem:$0x7170] =	vst v1  }
0xa8: {  	v2 =	vld [tilespmem:s31+$0x0];
	s31 =	sor.u32 s28, s25  }
0xa9: {  	v1 =	vld [tilespmem:s31+$0x5780]  }
0xaa: {  	v3 =	vld [tilespmem:s31+$0x5400]  }
0xab: {  	v4 =	vld [tilespmem:s31+$0x5480]  }
0xac: {  	v11 =	vld [tilespmem:s31+$0x5500]  }
0xad: {  	v12 =	vld [tilespmem:s31+$0x5580]  }
0xae: {  	s26 =	simm.s32 $0x80;
	v9 =	vld [tilespmem:s31+$0x5600];
	v1 =	vmul.f32 v1, v2  }
0xaf: {  	s30 =	sand.u32 $0x1C00, s26;
	v10 =	vmovc v0;
	v6 =	vmovc v0;
	v14 =	vmov v0;
	v7 =	vmov v0;
	s28 =	simm.s32 $0x10;
	v5 =	vld [tilespmem:s31+$0x5680];
	v15 =	vmul.f32 v3, v2  }
0xb0: {  	v8 =	vmovc v0;
	s25 =	simm.s32 $0x7210;
	s29 =	sand.u32 $0x70, s28;
	s28 =	simm.s32 $0x20;
	v13 =	vld [tilespmem:s31+$0x5700];
	v16 =	vmul.f32 v4, v2;
	v4 =	vmovc v0;
	v3 =	vmov v0;
	v1 =	vadd.f32 v1, v0  }
.LBB2_13:
0xb1: {  	p0 =	sne.s32 s28, $0x300;
	v17 =	vld [tilespmem:s25+$0x0];
	s31 =	sor.u32 s29, s30;
	v14 =	vadd.f32 v15, v14;
	v11 =	vmul.f32 v11, v2  }
0xb2: {  	v15 =	vld [tilespmem:s31+$0x5780];
	v10 =	vadd.f32 v16, v10;
	v12 =	vmul.f32 v12, v2  }
0xb3: {  	v16 =	vld [tilespmem:s31+$0x5400];
	v7 =	vadd.f32 v11, v7;
	v9 =	vmul.f32 v9, v2  }
0xb4: {  	v18 =	vld [tilespmem:s31+$0x5480];
	v8 =	vadd.f32 v12, v8;
	v5 =	vmul.f32 v5, v2  }
.Ltmp6:
0xb5: {  	v11 =	vld [tilespmem:s31+$0x5500];
	v6 =	vadd.f32 v9, v6;
	v13 =	vmul.f32 v13, v2;
	(pc) =	sbr.rel @p0 .LBB2_13-.Ltmp6, $4  }
0xb6: {  	v12 =	vld [tilespmem:s31+$0x5580];
	v4 =	vadd.f32 v5, v4;
	v2 =	vmov v17  }
0xb7: {  	v9 =	vld [tilespmem:s31+$0x5600];
	v17 =	vmul.f32 v15, v2;
	v3 =	vadd.f32 v13, v3  }
0xb8: {  	s26 =	sadd.s32 $0x80, s26;
	s25 =	sadd.s32 $0x10, s25;
	v15 =	vmul.f32 v16, v2;
	v5 =	vld [tilespmem:s31+$0x5680]  }
0xb9: {  	s29 =	sand.u32 $0x70, s28;
	s28 =	sadd.s32 $0x10, s28;
	s30 =	sand.u32 $0x1C00, s26;
	v16 =	vmul.f32 v18, v2;
	v13 =	vld [tilespmem:s31+$0x5700];
	v1 =	vadd.f32 v17, v1  }
0xba: {  	v17 =	vld [tilespmem:s25+$0x0];
	s31 =	sor.u32 s29, s30  }
0xbb: {  	v18 =	vld [tilespmem:s31+$0x5400]  }
0xbc: {  	v19 =	vld [tilespmem:s31+$0x5480]  }
0xbd: {  	v20 =	vld [tilespmem:s31+$0x5500]  }
0xbe: {  	v21 =	vld [tilespmem:s31+$0x5580]  }
0xbf: {  	v14 =	vadd.f32 v15, v14;
	v11 =	vmul.f32 v11, v2;
	v12 =	vmul.f32 v12, v2;
	v50 =	vld [tilespmem:s31+$0x5600]  }
0xc0: {  	v10 =	vadd.f32 v16, v10;
	v52 =	vld [tilespmem:s31+$0x5680];
	v9 =	vmul.f32 v9, v2;
	v51 =	vmul.f32 v18, v17  }
0xc1: {  	v54 =	vld [tilespmem:s31+$0x5700];
	v7 =	vadd.f32 v11, v7;
	v8 =	vadd.f32 v12, v8;
	v53 =	vmul.f32 v19, v17  }
0xc2: {  	v56 =	vld [tilespmem:s31+$0x5780];
	v5 =	vmul.f32 v5, v2;
	v57 =	vmul.f32 v20, v17;
	v55 =	vadd.f32 v51, v14  }
0xc3: {  	v6 =	vadd.f32 v9, v6;
	v58 =	vmul.f32 v21, v17;
	v10 =	vadd.f32 v53, v10  }
0xc4: {  	v2 =	vmul.f32 v13, v2;
	v59 =	vmul.f32 v50, v17;
	v7 =	vadd.f32 v57, v7;
	[tilespmem:$0x7180] =	vst v55  }
0xc5: {  	v4 =	vadd.f32 v5, v4;
	v61 =	vmul.f32 v52, v17;
	v60 =	vadd.f32 v58, v8;
	[tilespmem:$0x7190] =	vst v10  }
0xc6: {  	s23 =	sadd.s32 $0x1, s23;
	v2 =	vadd.f32 v2, v3;
	v62 =	vmul.f32 v54, v17;
	v3 =	vadd.f32 v59, v6;
	[tilespmem:$0x71A0] =	vst v7  }
0xc7: {  	p0 =	sne.s32 s23, $0x5;
	v63 =	vmul.f32 v56, v17;
	v4 =	vadd.f32 v61, v4;
	[tilespmem:$0x71B0] =	vst v60  }
.Ltmp7:
0xc8: {  	s24 =	sshll.u32 s24, $0x8;
	v2 =	vadd.f32 v62, v2;
	[tilespmem:$0x71C0] =	vst v3;
	(pc) =	sbr.rel @p0 .LBB2_2-.Ltmp7, $4  }
0xc9: {  	s24 =	sadd.s32 s9, s24;
	v1 =	vadd.f32 v63, v1;
	[tilespmem:$0x71D0] =	vst v4  }
0xca: {  	s24 =	sshrl.u32 s24, $0x3;
	[tilespmem:$0x71E0] =	vst v2  }
0xcb: {  	s24 =	sadd.s32 s7, s24;
	[tilespmem:$0x71F0] =	vst v1  }
0xcc: {  	[hbm4b:s24+s5] =	stream.linear.scatter [tilespmem:s20], [sflag:$0x4], $0x100, $0x38;
	[tilespmem:$0x7600] =	vst v63  }
0xcd: {  	s22 =	sadd.s32 $0x1, s22  }
0xce: {  	_ =	swait.ge [sflag:s21], $0x100;
	p0 =	sne.s32 s22, s11  }
.Ltmp8:
0xcf: {  	[sflag:s21] =	ssyncset.done $0x0;
	(pc) =	sbr.rel @p0 .LBB2_1-.Ltmp8, $4  }
0xd0: {  	[sflag:s21] =	ssyncadd.s32 $0xFFFFFF00  }
0xd1: {  	_ =	swait.ge [sflag:s19], $0x100  }
0xd2: {  	[sflag:s19] =	ssyncset.done $0x0  }
0xd3: {  	[sflag:s19] =	ssyncadd.s32 $0xFFFFFF00  }
0xd4: {  	_ =	sfence.sel $0x180000  }
0xd5: {  	[bflag:$0x0] =	sbarrier.arrive $0xFFFF  }
0xd6: {  	p0 =	sne.s32 s0, $0x0;
	_ =	strace $0x90000047  }
0xd7: {  	s0 =	sadd.s32 @!p0 $0x100000, s1;
	[bflag:$0x2] =	sbarrier.arrive $0xFFFF  }
0xd8: {  	[sflag:s0] =	ssyncadd.tile.s32 @!p0 $0x1;
	_ =	shalt  }
.Lfunc_end2:
_tile_overlayer_lowered:
.L_overlay_start_2:
0xd9: {  	(tag) =	ssettag $0x2  }
0xda: {  	s0 =	rddreg [dreg:$0x0];
	s2 =	stileid.u32  }
0xdb: {  	s1 =	rddreg [dreg:$0x1];
	p0 =	sne.s32 s2, $0x0  }
0xdc: {  	s3 =	rddreg [dreg:$0x2];
	[bflag:$0x3] =	sbarrier.arrive $0xFFFF;
	s2 =	simm.s32 @!p0 $0x1C06  }
0xdd: {  	[timem:s3], [sflag:s2] =	dma.local @!p0 [hbm:s0], s1  }
0xde: {  	s0 =	simm.s32 @!p0 $0x6  }
0xdf: {  	_ =	swait.ge @!p0 [sflag:s0], s1  }
0xe0: {  	s1 =	ssub.s32 @!p0 $0x0, s1;
	[sflag:s0] =	ssyncset.done @!p0 $0x0  }
0xe1: {  	[sflag:s0] =	ssyncadd.s32 @!p0 s1  }
0xe2: {  	[bflag:$0x3] =	sbarrier.arrive $0xFFFF  }
0xe3: {  	_ =	shalt  }

</sc_bundles>
